<compile_context>
chip_gen: v7x
topology: tpu7x:2x2x1
jax: 0.10.2.dev20260603
libtpu: 0.0.44.dev20260713+nightly
codegen_flags: <defaults>
</compile_context>

<pallas_src>
import functools

import jax
import jax.numpy as jnp
from jax import lax
from jax.experimental import pallas as pl
from jax.experimental.pallas import tpu as pltpu
from jax.experimental.pallas import tpu_sc as plsc

_NCORES = 2
_NSUB = 16
_NW = _NCORES * _NSUB
_CH = 128


def _make_sc_segsum(n, h, e):
    ew = e // _NW
    full = ew // _CH
    tail = ew - full * _CH
    assert full % 2 == 0 and e % _NW == 0
    rps = ((n + _NSUB - 1) // _NSUB + 7) // 8 * 8
    rlast = n - (_NSUB - 1) * rps
    assert rlast > 0 and n % 8 == 0

    mesh = plsc.VectorSubcoreMesh(core_axis_name="c", subcore_axis_name="s")

    scratch = [
        pltpu.VMEM_SHARED((n, h), jnp.float32),
        pltpu.VMEM((_CH,), jnp.int32),
        pltpu.VMEM((_CH,), jnp.int32),
        pltpu.VMEM((_CH,), jnp.int32),
        pltpu.VMEM((_CH,), jnp.int32),
        pltpu.VMEM((_CH, h), jnp.float32),
        pltpu.VMEM((_CH, h), jnp.float32),
        pltpu.SemaphoreType.DMA,
        pltpu.SemaphoreType.DMA,
        pltpu.SemaphoreType.DMA,
        pltpu.SemaphoreType.DMA,
    ]
    if tail:
        scratch += [
            pltpu.VMEM((tail,), jnp.int32),
            pltpu.VMEM((tail,), jnp.int32),
            pltpu.VMEM((tail, h), jnp.float32),
        ]

    @functools.partial(
        pl.kernel,
        out_type=jax.ShapeDtypeStruct((_NCORES, n, h), jnp.float32),
        mesh=mesh,
        scratch_types=scratch,
    )
    def segsum(h_hbm, src_hbm, dst_hbm, out_hbm, accum, sidxa, didxa,
               sidxb, didxb, rowsa, rowsb, sema, semb, semsa, semsb,
               *tail_bufs):
        c = lax.axis_index("c")
        s = lax.axis_index("s")
        wid = c * _NSUB + s

        @pl.when(s < _NSUB - 1)
        def _():
            off = pl.multiple_of(s * rps, 8)
            pltpu.sync_copy(h_hbm.at[pl.ds(off, rps)],
                            accum.at[pl.ds(off, rps)])

        @pl.when(s == _NSUB - 1)
        def _():
            pltpu.sync_copy(h_hbm.at[pl.ds((_NSUB - 1) * rps, rlast)],
                            accum.at[pl.ds((_NSUB - 1) * rps, rlast)])

        plsc.subcore_barrier()

        base = wid * ew

        def body(k, carry):
            offa = pl.multiple_of(base + (2 * k) * _CH, 8)
            pltpu.sync_copy(src_hbm.at[pl.ds(offa, _CH)], sidxa)
            pltpu.sync_copy(dst_hbm.at[pl.ds(offa, _CH)], didxa)
            cpa = pltpu.async_copy(h_hbm.at[sidxa], rowsa, sema)
            offb = pl.multiple_of(base + (2 * k + 1) * _CH, 8)
            pltpu.sync_copy(src_hbm.at[pl.ds(offb, _CH)], sidxb)
            pltpu.sync_copy(dst_hbm.at[pl.ds(offb, _CH)], didxb)
            cpb = pltpu.async_copy(h_hbm.at[sidxb], rowsb, semb)
            cpa.wait()
            spa = pltpu.make_async_copy(rowsa, accum.at[didxa], semsa)
            spa.start(add=True)
            cpb.wait()
            spb = pltpu.make_async_copy(rowsb, accum.at[didxb], semsb)
            spb.start(add=True)
            spa.wait()
            spb.wait()
            return carry

        lax.fori_loop(0, full // 2, body, 0)
        if tail:
            sidx_t, didx_t, rows_t = tail_bufs
            off = pl.multiple_of(base + full * _CH, 8)
            pltpu.sync_copy(src_hbm.at[pl.ds(off, tail)], sidx_t)
            pltpu.sync_copy(dst_hbm.at[pl.ds(off, tail)], didx_t)
            pltpu.async_copy(h_hbm.at[sidx_t], rows_t, sema).wait()
            pltpu.sync_copy(rows_t, accum.at[didx_t], add=True)
        plsc.subcore_barrier()

        @pl.when(s < _NSUB - 1)
        def _():
            off = pl.multiple_of(s * rps, 8)
            pltpu.sync_copy(accum.at[pl.ds(off, rps)],
                            out_hbm.at[c, pl.ds(off, rps)])

        @pl.when(s == _NSUB - 1)
        def _():
            pltpu.sync_copy(accum.at[pl.ds((_NSUB - 1) * rps, rlast)],
                            out_hbm.at[c, pl.ds((_NSUB - 1) * rps, rlast)])

    return segsum


def _bn(z, g, b):
    m = jnp.mean(z, axis=0, keepdims=True)
    v = jnp.mean((z - m) * (z - m), axis=0, keepdims=True)
    return g * (z - m) / jnp.sqrt(v + 1e-5) + b


def _gin_dense(p0_ref, p1_ref, h_ref, w1, b1, g1, bb1, w2, b2, go, bo, out):
    pooled = p0_ref[...] + p1_ref[...] - h_ref[...]
    z1 = jnp.dot(pooled, w1[...], preferred_element_type=jnp.float32) + b1[...]
    hh = jnp.maximum(_bn(z1, g1[...], bb1[...]), 0.0)
    z2 = jnp.dot(hh, w2[...], preferred_element_type=jnp.float32) + b2[...]
    out[...] = jnp.maximum(_bn(z2, go[...], bo[...]), 0.0)


def _heads(h_ref, cand_ref, mask_ref,
           aw1, ab1, aw2, ab2, aw3, ab3,
           cw1, cb1, cw2, cb2, cw3, cb3,
           pi_out, v_out, *, b, n_per, hdim, nc):
    h = h_ref[...]
    h_nodes = h.reshape(b, n_per, hdim)
    h_pooled = jnp.sum(h_nodes, axis=1) / float(n_per)
    cand = cand_ref[...]
    iota = lax.broadcasted_iota(jnp.int32, (b, nc, n_per), 2)
    onehot = (cand[:, :, None] == iota).astype(jnp.float32)
    cand_feat = lax.dot_general(
        onehot, h_nodes,
        dimension_numbers=(((2,), (1,)), ((0,), (0,))),
        preferred_element_type=jnp.float32)
    rep = jnp.broadcast_to(h_pooled[:, None, :], (b, nc, hdim))
    feat = jnp.concatenate([cand_feat, rep], axis=-1).reshape(b * nc, 2 * hdim)
    s = jnp.tanh(jnp.dot(feat, aw1[...], preferred_element_type=jnp.float32)
                 + ab1[...])
    s = jnp.tanh(jnp.dot(s, aw2[...], preferred_element_type=jnp.float32)
                 + ab2[...])
    scores = (jnp.dot(s, aw3[...], preferred_element_type=jnp.float32)
              + ab3[...]).reshape(b, nc)
    scores = jnp.where(mask_ref[...] > 0, -jnp.inf, scores)
    mx = jnp.max(scores, axis=1, keepdims=True)
    ex = jnp.exp(scores - mx)
    pi_out[...] = ex / jnp.sum(ex, axis=1, keepdims=True)
    v = jnp.tanh(jnp.dot(h_pooled, cw1[...], preferred_element_type=jnp.float32)
                 + cb1[...])
    v = jnp.tanh(jnp.dot(v, cw2[...], preferred_element_type=jnp.float32)
                 + cb2[...])
    v_out[...] = (jnp.dot(v, cw3[...], preferred_element_type=jnp.float32)
                  + cb3[...]).reshape(b)


def kernel(x, graph_pool, padded_nei, adj, candidate, mask, params):
    n, d = x.shape
    e = adj.shape[1]
    b, nc = candidate.shape
    n_per = n // b
    hdim = params['gin0']['W1'].shape[1]

    segsum = _make_sc_segsum(n, hdim, e)
    src = adj[0]
    dst = adj[1]

    gin_dense = pl.pallas_call(
        _gin_dense,
        out_shape=jax.ShapeDtypeStruct((n, hdim), jnp.float32),
    )

    h = x
    for l in range(2):
        p = params['gin%d' % l]
        part = segsum(h, src, dst)
        h = gin_dense(part[0], part[1], h,
                      p['W1'], p['b1'], p['bn1_g'], p['bn1_b'],
                      p['W2'], p['b2'], p['bno_g'], p['bno_b'])

    a = params['actor']
    c = params['critic']
    heads = pl.pallas_call(
        functools.partial(_heads, b=b, n_per=n_per, hdim=hdim, nc=nc),
        out_shape=(
            jax.ShapeDtypeStruct((b, nc), jnp.float32),
            jax.ShapeDtypeStruct((b,), jnp.float32),
        ),
    )
    pi2d, v1d = heads(h, candidate, mask.astype(jnp.int32),
                      a['W1'], a['b1'], a['W2'], a['b2'], a['W3'], a['b3'],
                      c['W1'], c['b1'], c['W2'], c['b2'], c['W3'], c['b3'])
    return pi2d[:, :, None], v1d[:, None]

# --- scband reference (transcript-rebuilt; emitter-appended) ---
"""Pipeline reference for scband-actor-critic-18425409700004 (READ-ONLY COPY).

The authoritative reference and input builder live on the scoring server;
editing this copy changes nothing except your own understanding.
"""

import jax, jax.numpy as jnp
import numpy as np

N = 10000
E = 320000
B = 100
N_PER = 100
D = 128
H = 128
NC = 50

def _bn(x, g, b, eps=1e-5):
    m = jnp.mean(x, axis=0, keepdims=True)
    v = jnp.var(x, axis=0, keepdims=True)
    return g * (x - m) / jnp.sqrt(v + eps) + b

def _init_params(key):
    ks = jax.random.split(key, 8)
    def w(k, shape):
        return jax.random.normal(k, shape, dtype=jnp.float32) * 0.05
    p = {}
    for l in range(2):
        din = D if l == 0 else H
        p['gin%d' % l] = {
            'W1': w(ks[l * 2 + 0], (din, H)),
            'b1': jnp.zeros((H,), jnp.float32),
            'W2': w(ks[l * 2 + 1], (H, H)),
            'b2': jnp.zeros((H,), jnp.float32),
            'bn1_g': jnp.ones((H,), jnp.float32),
            'bn1_b': jnp.zeros((H,), jnp.float32),
            'bno_g': jnp.ones((H,), jnp.float32),
            'bno_b': jnp.zeros((H,), jnp.float32),
        }
    p['actor'] = {
        'W1': w(ks[4], (2 * H, 256)), 'b1': jnp.zeros((256,), jnp.float32),
        'W2': w(ks[5], (256, 256)), 'b2': jnp.zeros((256,), jnp.float32),
        'W3': w(jax.random.fold_in(ks[5], 1), (256, 1)), 'b3': jnp.zeros((1,), jnp.float32),
    }
    p['critic'] = {
        'W1': w(ks[6], (H, 256)), 'b1': jnp.zeros((256,), jnp.float32),
        'W2': w(ks[7], (256, 256)), 'b2': jnp.zeros((256,), jnp.float32),
        'W3': w(jax.random.fold_in(ks[7], 1), (256, 1)), 'b3': jnp.zeros((1,), jnp.float32),
    }
    return p

def setup_inputs(seed: int = 0):
    key = jax.random.key(seed)
    k1, k2, k3, k4, k5 = jax.random.split(key, 5)
    x = jax.random.normal(k1, (N, D), dtype=jnp.float32)
    graph_pool = jnp.arange(N, dtype=jnp.int32)
    padded_nei = jnp.zeros((1,), jnp.int32)
    adj = jax.random.randint(k2, (2, E), 0, N, dtype=jnp.int32)
    candidate = jax.random.randint(k3, (B, NC), 0, N_PER, dtype=jnp.int32)
    mask = jax.random.randint(k4, (B, NC), 0, 2) > 0
    params = _init_params(k5)
    return {'x': x, 'graph_pool': graph_pool, 'padded_nei': padded_nei, 'adj': adj, 'candidate': candidate, 'mask': mask, 'params': params}

def _forward(x, params, graph_pool, adj, candidate, mask):
    src = adj[0]
    dst = adj[1]
    h = x
    for l in range(2):
        p = params['gin%d' % l]
        # pooled = adj @ h with self-loops (GIN sum aggregation)
        pooled = jax.ops.segment_sum(h[src], dst, num_segments=N) + h
        # inner MLP (2 linear layers with BN+ReLU between)
        hh = jax.nn.relu(_bn(pooled @ p['W1'] + p['b1'], p['bn1_g'], p['bn1_b']))
        hh = hh @ p['W2'] + p['b2']
        # outer batch-norm + relu
        h = jax.nn.relu(_bn(hh, p['bno_g'], p['bno_b']))
    # graph_pool: average pooling per graph (graph id = node // N_PER)
    gid = graph_pool // N_PER
    h_pooled = jax.ops.segment_sum(h, gid, num_segments=B) / float(N_PER)
    h_nodes = h.reshape(B, N_PER, H)
    idx = jnp.broadcast_to(candidate[:, :, None], (B, NC, H)).astype(jnp.int32)
    cand_feat = jnp.take_along_axis(h_nodes, idx, axis=1)
    rep = jnp.broadcast_to(h_pooled[:, None, :], (B, NC, H))
    feat = jnp.concatenate([cand_feat, rep], axis=-1)
    a = params['actor']
    s = jnp.tanh(feat @ a['W1'] + a['b1'])
    s = jnp.tanh(s @ a['W2'] + a['b2'])
    scores = s @ a['W3'] + a['b3']
    scores = jnp.where(mask[:, :, None], -jnp.inf, scores)
    pi = jax.nn.softmax(scores, axis=1)
    c = params['critic']
    v = jnp.tanh(h_pooled @ c['W1'] + c['b1'])
    v = jnp.tanh(v @ c['W2'] + c['b2'])
    v = v @ c['W3'] + c['b3']
    return pi, v

def reference(x, graph_pool, padded_nei, adj, candidate, mask, params):
    return _forward(x, params, graph_pool, adj, candidate, mask)

if __name__ == "__main__":
    import jax
    _d = setup_inputs()
    print(jax.jit(kernel)(*tuple(_d.values())))

</pallas_src>

<mosaic_0001>
#map = affine_map<(d0, d1) -> (0, 0)>
#map1 = affine_map<(d0, d1) -> (0)>
#map2 = affine_map<(d0, d1) -> (0, 0, 0)>
module attributes {stable_mosaic.version = 14 : i64} {
  func.func @segsum(%arg0: i32, %arg1: i32, %arg2: memref<10000x128xf32, #tpu.memory_space<hbm>>, %arg3: memref<320000xi32, #tpu.memory_space<hbm>>, %arg4: memref<320000xi32, #tpu.memory_space<hbm>>, %arg5: memref<2x10000x128xf32, #tpu.memory_space<hbm>>, %arg6: memref<10000x128xf32, #tpu.memory_space<vmem_shared>>, %arg7: memref<128xi32, #tpu.memory_space<vmem>>, %arg8: memref<128xi32, #tpu.memory_space<vmem>>, %arg9: memref<128xi32, #tpu.memory_space<vmem>>, %arg10: memref<128xi32, #tpu.memory_space<vmem>>, %arg11: memref<128x128xf32, #tpu.memory_space<vmem>>, %arg12: memref<128x128xf32, #tpu.memory_space<vmem>>, %arg13: memref<!tpu.dma_semaphore, #tpu.memory_space<semaphore_mem>>, %arg14: memref<!tpu.dma_semaphore, #tpu.memory_space<semaphore_mem>>, %arg15: memref<!tpu.dma_semaphore, #tpu.memory_space<semaphore_mem>>, %arg16: memref<!tpu.dma_semaphore, #tpu.memory_space<semaphore_mem>>, %arg17: memref<16xi32, #tpu.memory_space<vmem>>, %arg18: memref<16xi32, #tpu.memory_space<vmem>>, %arg19: memref<16x128xf32, #tpu.memory_space<vmem>>) attributes {dimension_semantics = [#tpu.dimension_semantics<core_parallel>, #tpu.dimension_semantics<subcore_parallel>], iteration_bounds = array<i64: 2, 16>, scalar_prefetch = 0 : i64, scratch_operands = 14 : i64, tpu.core_type = #tpu.core_type<sc_vector_subcore>, window_params = [{transform_indices = #map}, {transform_indices = #map1}, {transform_indices = #map1}, {transform_indices = #map2}]} {
    %mul3A = arith.constant 16 : i32
    %mul3A_0 = arith.muli %arg0, %mul3A : i32
    %add3A = arith.addi %mul3A_0, %arg1 : i32
    %lt3A = arith.constant 15 : i32
    %lt3A_1 = arith.cmpi slt, %arg1, %lt3A : i32
    %convert_element_type3A = arith.extui %lt3A_1 : i1 to i32
    %cond3A = arith.constant 0 : i32
    %cond3A_2 = arith.cmpi ne, %convert_element_type3A, %cond3A : i32
    scf.if %cond3A_2 {
      %mul3A_31 = arith.constant 632 : i32
      %mul3A_32 = arith.muli %arg1, %mul3A_31 : i32
      %multiple_of3A_33 = tpu.assume_multiple %mul3A_32, 8 : i32
      "tpu.region"() ({
        %run_scoped3A = tpu.sem_alloc : memref<!tpu.dma_semaphore, #tpu.memory_space<semaphore_mem>>
        %dma_start3A_34 = arith.constant 0 : i32
        %dma_start3A_35 = tpu.memref_slice %arg6[%multiple_of3A_33, %dma_start3A_34] : memref<10000x128xf32, #tpu.memory_space<vmem_shared>> -> memref<632x128xf32, #tpu.memory_space<vmem_shared>>
        %dma_start3A_36 = arith.constant 0 : i32
        %dma_start3A_37 = tpu.memref_slice %arg2[%multiple_of3A_33, %dma_start3A_36] : memref<10000x128xf32, #tpu.memory_space<hbm>> -> memref<632x128xf32, #tpu.memory_space<hbm>>
        tpu.enqueue_dma source(%dma_start3A_37 : memref<632x128xf32, #tpu.memory_space<hbm>>) target(%dma_start3A_35 : memref<632x128xf32, #tpu.memory_space<vmem_shared>>) target_semaphore(%run_scoped3A : memref<!tpu.dma_semaphore, #tpu.memory_space<semaphore_mem>>)
        %dma_wait3A_38 = arith.constant 0 : i32
        %dma_wait3A_39 = tpu.memref_slice %arg6[%multiple_of3A_33, %dma_wait3A_38] : memref<10000x128xf32, #tpu.memory_space<vmem_shared>> -> memref<632x128xf32, #tpu.memory_space<vmem_shared>>
        %dma_wait3A_40 = arith.constant 0 : i32
        %dma_wait3A_41 = tpu.memref_slice %arg2[%multiple_of3A_33, %dma_wait3A_40] : memref<10000x128xf32, #tpu.memory_space<hbm>> -> memref<632x128xf32, #tpu.memory_space<hbm>>
        tpu.wait_dma2 semaphore(%run_scoped3A : memref<!tpu.dma_semaphore, #tpu.memory_space<semaphore_mem>>) src(%dma_wait3A_41 : memref<632x128xf32, #tpu.memory_space<hbm>>) dst(%dma_wait3A_39 : memref<632x128xf32, #tpu.memory_space<vmem_shared>>)
        tpu.yield
      }) : () -> ()
    } else {
    }
    %eq3A = arith.constant 15 : i32
    %eq3A_3 = arith.cmpi eq, %arg1, %eq3A : i32
    %convert_element_type3A_4 = arith.extui %eq3A_3 : i1 to i32
    %cond3A_5 = arith.constant 0 : i32
    %cond3A_6 = arith.cmpi ne, %convert_element_type3A_4, %cond3A_5 : i32
    scf.if %cond3A_6 {
      "tpu.region"() ({
        %run_scoped3A = tpu.sem_alloc : memref<!tpu.dma_semaphore, #tpu.memory_space<semaphore_mem>>
        %dma_start3A_31 = arith.constant 9480 : i32
        %dma_start3A_32 = arith.constant 0 : i32
        %dma_start3A_33 = tpu.memref_slice %arg6[%dma_start3A_31, %dma_start3A_32] : memref<10000x128xf32, #tpu.memory_space<vmem_shared>> -> memref<520x128xf32, #tpu.memory_space<vmem_shared>>
        %dma_start3A_34 = arith.constant 9480 : i32
        %dma_start3A_35 = arith.constant 0 : i32
        %dma_start3A_36 = tpu.memref_slice %arg2[%dma_start3A_34, %dma_start3A_35] : memref<10000x128xf32, #tpu.memory_space<hbm>> -> memref<520x128xf32, #tpu.memory_space<hbm>>
        tpu.enqueue_dma source(%dma_start3A_36 : memref<520x128xf32, #tpu.memory_space<hbm>>) target(%dma_start3A_33 : memref<520x128xf32, #tpu.memory_space<vmem_shared>>) target_semaphore(%run_scoped3A : memref<!tpu.dma_semaphore, #tpu.memory_space<semaphore_mem>>)
        %dma_wait3A_37 = arith.constant 9480 : i32
        %dma_wait3A_38 = arith.constant 0 : i32
        %dma_wait3A_39 = tpu.memref_slice %arg6[%dma_wait3A_37, %dma_wait3A_38] : memref<10000x128xf32, #tpu.memory_space<vmem_shared>> -> memref<520x128xf32, #tpu.memory_space<vmem_shared>>
        %dma_wait3A_40 = arith.constant 9480 : i32
        %dma_wait3A_41 = arith.constant 0 : i32
        %dma_wait3A_42 = tpu.memref_slice %arg2[%dma_wait3A_40, %dma_wait3A_41] : memref<10000x128xf32, #tpu.memory_space<hbm>> -> memref<520x128xf32, #tpu.memory_space<hbm>>
        tpu.wait_dma2 semaphore(%run_scoped3A : memref<!tpu.dma_semaphore, #tpu.memory_space<semaphore_mem>>) src(%dma_wait3A_42 : memref<520x128xf32, #tpu.memory_space<hbm>>) dst(%dma_wait3A_39 : memref<520x128xf32, #tpu.memory_space<vmem_shared>>)
        tpu.yield
      }) : () -> ()
    } else {
    }
    %barrier3A = arith.constant 0 : index
    tpu.barrier barrier_id(%barrier3A)
    %mul3A_7 = arith.constant 10000 : i32
    %mul3A_8 = arith.muli %add3A, %mul3A_7 : i32
    %scan3A = arith.constant 0 : i32
    %scan3A_9 = arith.constant 0 : i32
    %scan3A_10 = arith.constant 39 : i32
    %scan3A_11 = arith.addi %scan3A_9, %scan3A_10 : i32
    %scan3A_12 = arith.constant 1 : i32
    scf.for %scan3A_31 = %scan3A_9 to %scan3A_11 step %scan3A_12  : i32 {
      %mul3A_32 = arith.constant 2 : i32
      %mul3A_33 = arith.muli %mul3A_32, %scan3A_31 : i32
      %mul3A_34 = arith.constant 128 : i32
      %mul3A_35 = arith.muli %mul3A_33, %mul3A_34 : i32
      %add3A_36 = arith.addi %mul3A_8, %mul3A_35 : i32
      %multiple_of3A_37 = tpu.assume_multiple %add3A_36, 8 : i32
      "tpu.region"() ({
        %run_scoped3A = tpu.sem_alloc : memref<!tpu.dma_semaphore, #tpu.memory_space<semaphore_mem>>
        %dma_start3A_70 = tpu.memref_slice %arg3[%multiple_of3A_37] : memref<320000xi32, #tpu.memory_space<hbm>> -> memref<128xi32, #tpu.memory_space<hbm>>
        %dma_start3A_71 = tpu.memref_slice %arg3[%multiple_of3A_37] : memref<320000xi32, #tpu.memory_space<hbm>> -> memref<128xi32, #tpu.memory_space<hbm>>
        tpu.enqueue_dma source(%dma_start3A_71 : memref<128xi32, #tpu.memory_space<hbm>>) target(%arg7 : memref<128xi32, #tpu.memory_space<vmem>>) target_semaphore(%run_scoped3A : memref<!tpu.dma_semaphore, #tpu.memory_space<semaphore_mem>>)
        %dma_wait3A_72 = tpu.memref_slice %arg3[%multiple_of3A_37] : memref<320000xi32, #tpu.memory_space<hbm>> -> memref<128xi32, #tpu.memory_space<hbm>>
        %dma_wait3A_73 = tpu.memref_slice %arg3[%multiple_of3A_37] : memref<320000xi32, #tpu.memory_space<hbm>> -> memref<128xi32, #tpu.memory_space<hbm>>
        tpu.wait_dma2 semaphore(%run_scoped3A : memref<!tpu.dma_semaphore, #tpu.memory_space<semaphore_mem>>) src(%dma_wait3A_73 : memref<128xi32, #tpu.memory_space<hbm>>) dst(%arg7 : memref<128xi32, #tpu.memory_space<vmem>>)
        tpu.yield
      }) : () -> ()
      "tpu.region"() ({
        %run_scoped3A = tpu.sem_alloc : memref<!tpu.dma_semaphore, #tpu.memory_space<semaphore_mem>>
        %dma_start3A_70 = tpu.memref_slice %arg4[%multiple_of3A_37] : memref<320000xi32, #tpu.memory_space<hbm>> -> memref<128xi32, #tpu.memory_space<hbm>>
        %dma_start3A_71 = tpu.memref_slice %arg4[%multiple_of3A_37] : memref<320000xi32, #tpu.memory_space<hbm>> -> memref<128xi32, #tpu.memory_space<hbm>>
        tpu.enqueue_dma source(%dma_start3A_71 : memref<128xi32, #tpu.memory_space<hbm>>) target(%arg8 : memref<128xi32, #tpu.memory_space<vmem>>) target_semaphore(%run_scoped3A : memref<!tpu.dma_semaphore, #tpu.memory_space<semaphore_mem>>)
        %dma_wait3A_72 = tpu.memref_slice %arg4[%multiple_of3A_37] : memref<320000xi32, #tpu.memory_space<hbm>> -> memref<128xi32, #tpu.memory_space<hbm>>
        %dma_wait3A_73 = tpu.memref_slice %arg4[%multiple_of3A_37] : memref<320000xi32, #tpu.memory_space<hbm>> -> memref<128xi32, #tpu.memory_space<hbm>>
        tpu.wait_dma2 semaphore(%run_scoped3A : memref<!tpu.dma_semaphore, #tpu.memory_space<semaphore_mem>>) src(%dma_wait3A_73 : memref<128xi32, #tpu.memory_space<hbm>>) dst(%arg8 : memref<128xi32, #tpu.memory_space<vmem>>)
        tpu.yield
      }) : () -> ()
      %dma_start3A_38 = arith.constant 0 : i32
      %dma_start3A_39 = arith.constant 0 : i32
      %dma_start3A_40 = tpu.memref_slice %arg2[%dma_start3A_38, %dma_start3A_39] : memref<10000x128xf32, #tpu.memory_space<hbm>> -> memref<10000x128xf32, #tpu.memory_space<hbm>>
      tpu.enqueue_indirect_dma source(%dma_start3A_40 : memref<10000x128xf32, #tpu.memory_space<hbm>>) target(%arg11 : memref<128x128xf32, #tpu.memory_space<vmem>>) offsets(%arg7 : memref<128xi32, #tpu.memory_space<vmem>>) semaphore(%arg13 : memref<!tpu.dma_semaphore, #tpu.memory_space<semaphore_mem>>)
      %mul3A_41 = arith.constant 2 : i32
      %mul3A_42 = arith.muli %mul3A_41, %scan3A_31 : i32
      %add3A_43 = arith.constant 1 : i32
      %add3A_44 = arith.addi %mul3A_42, %add3A_43 : i32
      %mul3A_45 = arith.constant 128 : i32
      %mul3A_46 = arith.muli %add3A_44, %mul3A_45 : i32
      %add3A_47 = arith.addi %mul3A_8, %mul3A_46 : i32
      %multiple_of3A_48 = tpu.assume_multiple %add3A_47, 8 : i32
      "tpu.region"() ({
        %run_scoped3A = tpu.sem_alloc : memref<!tpu.dma_semaphore, #tpu.memory_space<semaphore_mem>>
        %dma_start3A_70 = tpu.memref_slice %arg3[%multiple_of3A_48] : memref<320000xi32, #tpu.memory_space<hbm>> -> memref<128xi32, #tpu.memory_space<hbm>>
        %dma_start3A_71 = tpu.memref_slice %arg3[%multiple_of3A_48] : memref<320000xi32, #tpu.memory_space<hbm>> -> memref<128xi32, #tpu.memory_space<hbm>>
        tpu.enqueue_dma source(%dma_start3A_71 : memref<128xi32, #tpu.memory_space<hbm>>) target(%arg9 : memref<128xi32, #tpu.memory_space<vmem>>) target_semaphore(%run_scoped3A : memref<!tpu.dma_semaphore, #tpu.memory_space<semaphore_mem>>)
        %dma_wait3A_72 = tpu.memref_slice %arg3[%multiple_of3A_48] : memref<320000xi32, #tpu.memory_space<hbm>> -> memref<128xi32, #tpu.memory_space<hbm>>
        %dma_wait3A_73 = tpu.memref_slice %arg3[%multiple_of3A_48] : memref<320000xi32, #tpu.memory_space<hbm>> -> memref<128xi32, #tpu.memory_space<hbm>>
        tpu.wait_dma2 semaphore(%run_scoped3A : memref<!tpu.dma_semaphore, #tpu.memory_space<semaphore_mem>>) src(%dma_wait3A_73 : memref<128xi32, #tpu.memory_space<hbm>>) dst(%arg9 : memref<128xi32, #tpu.memory_space<vmem>>)
        tpu.yield
      }) : () -> ()
      "tpu.region"() ({
        %run_scoped3A = tpu.sem_alloc : memref<!tpu.dma_semaphore, #tpu.memory_space<semaphore_mem>>
        %dma_start3A_70 = tpu.memref_slice %arg4[%multiple_of3A_48] : memref<320000xi32, #tpu.memory_space<hbm>> -> memref<128xi32, #tpu.memory_space<hbm>>
        %dma_start3A_71 = tpu.memref_slice %arg4[%multiple_of3A_48] : memref<320000xi32, #tpu.memory_space<hbm>> -> memref<128xi32, #tpu.memory_space<hbm>>
        tpu.enqueue_dma source(%dma_start3A_71 : memref<128xi32, #tpu.memory_space<hbm>>) target(%arg10 : memref<128xi32, #tpu.memory_space<vmem>>) target_semaphore(%run_scoped3A : memref<!tpu.dma_semaphore, #tpu.memory_space<semaphore_mem>>)
        %dma_wait3A_72 = tpu.memref_slice %arg4[%multiple_of3A_48] : memref<320000xi32, #tpu.memory_space<hbm>> -> memref<128xi32, #tpu.memory_space<hbm>>
        %dma_wait3A_73 = tpu.memref_slice %arg4[%multiple_of3A_48] : memref<320000xi32, #tpu.memory_space<hbm>> -> memref<128xi32, #tpu.memory_space<hbm>>
        tpu.wait_dma2 semaphore(%run_scoped3A : memref<!tpu.dma_semaphore, #tpu.memory_space<semaphore_mem>>) src(%dma_wait3A_73 : memref<128xi32, #tpu.memory_space<hbm>>) dst(%arg10 : memref<128xi32, #tpu.memory_space<vmem>>)
        tpu.yield
      }) : () -> ()
      %dma_start3A_49 = arith.constant 0 : i32
      %dma_start3A_50 = arith.constant 0 : i32
      %dma_start3A_51 = tpu.memref_slice %arg2[%dma_start3A_49, %dma_start3A_50] : memref<10000x128xf32, #tpu.memory_space<hbm>> -> memref<10000x128xf32, #tpu.memory_space<hbm>>
      tpu.enqueue_indirect_dma source(%dma_start3A_51 : memref<10000x128xf32, #tpu.memory_space<hbm>>) target(%arg12 : memref<128x128xf32, #tpu.memory_space<vmem>>) offsets(%arg9 : memref<128xi32, #tpu.memory_space<vmem>>) semaphore(%arg14 : memref<!tpu.dma_semaphore, #tpu.memory_space<semaphore_mem>>)
      %dma_wait3A_52 = arith.constant 0 : i32
      %dma_wait3A_53 = arith.constant 0 : i32
      %dma_wait3A_54 = tpu.memref_slice %arg2[%dma_wait3A_52, %dma_wait3A_53] : memref<10000x128xf32, #tpu.memory_space<hbm>> -> memref<10000x128xf32, #tpu.memory_space<hbm>>
      tpu.wait_indirect_dma semaphore(%arg13 : memref<!tpu.dma_semaphore, #tpu.memory_space<semaphore_mem>>) src(%dma_wait3A_54 : memref<10000x128xf32, #tpu.memory_space<hbm>>) dst(%arg11 : memref<128x128xf32, #tpu.memory_space<vmem>>)
      %dma_start3A_55 = arith.constant 0 : i32
      %dma_start3A_56 = arith.constant 0 : i32
      %dma_start3A_57 = tpu.memref_slice %arg6[%dma_start3A_55, %dma_start3A_56] : memref<10000x128xf32, #tpu.memory_space<vmem_shared>> -> memref<10000x128xf32, #tpu.memory_space<vmem_shared>>
      tpu.enqueue_indirect_dma source(%arg11 : memref<128x128xf32, #tpu.memory_space<vmem>>) target(%dma_start3A_57 : memref<10000x128xf32, #tpu.memory_space<vmem_shared>>) offsets(%arg8 : memref<128xi32, #tpu.memory_space<vmem>>) semaphore(%arg15 : memref<!tpu.dma_semaphore, #tpu.memory_space<semaphore_mem>>) {add = true}
      %dma_wait3A_58 = arith.constant 0 : i32
      %dma_wait3A_59 = arith.constant 0 : i32
      %dma_wait3A_60 = tpu.memref_slice %arg2[%dma_wait3A_58, %dma_wait3A_59] : memref<10000x128xf32, #tpu.memory_space<hbm>> -> memref<10000x128xf32, #tpu.memory_space<hbm>>
      tpu.wait_indirect_dma semaphore(%arg14 : memref<!tpu.dma_semaphore, #tpu.memory_space<semaphore_mem>>) src(%dma_wait3A_60 : memref<10000x128xf32, #tpu.memory_space<hbm>>) dst(%arg12 : memref<128x128xf32, #tpu.memory_space<vmem>>)
      %dma_start3A_61 = arith.constant 0 : i32
      %dma_start3A_62 = arith.constant 0 : i32
      %dma_start3A_63 = tpu.memref_slice %arg6[%dma_start3A_61, %dma_start3A_62] : memref<10000x128xf32, #tpu.memory_space<vmem_shared>> -> memref<10000x128xf32, #tpu.memory_space<vmem_shared>>
      tpu.enqueue_indirect_dma source(%arg12 : memref<128x128xf32, #tpu.memory_space<vmem>>) target(%dma_start3A_63 : memref<10000x128xf32, #tpu.memory_space<vmem_shared>>) offsets(%arg10 : memref<128xi32, #tpu.memory_space<vmem>>) semaphore(%arg16 : memref<!tpu.dma_semaphore, #tpu.memory_space<semaphore_mem>>) {add = true}
      %dma_wait3A_64 = arith.constant 0 : i32
      %dma_wait3A_65 = arith.constant 0 : i32
      %dma_wait3A_66 = tpu.memref_slice %arg6[%dma_wait3A_64, %dma_wait3A_65] : memref<10000x128xf32, #tpu.memory_space<vmem_shared>> -> memref<10000x128xf32, #tpu.memory_space<vmem_shared>>
      tpu.wait_indirect_dma semaphore(%arg15 : memref<!tpu.dma_semaphore, #tpu.memory_space<semaphore_mem>>) src(%arg11 : memref<128x128xf32, #tpu.memory_space<vmem>>) dst(%dma_wait3A_66 : memref<10000x128xf32, #tpu.memory_space<vmem_shared>>)
      %dma_wait3A_67 = arith.constant 0 : i32
      %dma_wait3A_68 = arith.constant 0 : i32
      %dma_wait3A_69 = tpu.memref_slice %arg6[%dma_wait3A_67, %dma_wait3A_68] : memref<10000x128xf32, #tpu.memory_space<vmem_shared>> -> memref<10000x128xf32, #tpu.memory_space<vmem_shared>>
      tpu.wait_indirect_dma semaphore(%arg16 : memref<!tpu.dma_semaphore, #tpu.memory_space<semaphore_mem>>) src(%arg12 : memref<128x128xf32, #tpu.memory_space<vmem>>) dst(%dma_wait3A_69 : memref<10000x128xf32, #tpu.memory_space<vmem_shared>>)
    }
    %scan3A_13 = arith.constant 39 : i32
    %add3A_14 = arith.constant 9984 : i32
    %add3A_15 = arith.addi %mul3A_8, %add3A_14 : i32
    %multiple_of3A = tpu.assume_multiple %add3A_15, 8 : i32
    "tpu.region"() ({
      %run_scoped3A = tpu.sem_alloc : memref<!tpu.dma_semaphore, #tpu.memory_space<semaphore_mem>>
      %dma_start3A_31 = tpu.memref_slice %arg3[%multiple_of3A] : memref<320000xi32, #tpu.memory_space<hbm>> -> memref<16xi32, #tpu.memory_space<hbm>>
      %dma_start3A_32 = tpu.memref_slice %arg3[%multiple_of3A] : memref<320000xi32, #tpu.memory_space<hbm>> -> memref<16xi32, #tpu.memory_space<hbm>>
      tpu.enqueue_dma source(%dma_start3A_32 : memref<16xi32, #tpu.memory_space<hbm>>) target(%arg17 : memref<16xi32, #tpu.memory_space<vmem>>) target_semaphore(%run_scoped3A : memref<!tpu.dma_semaphore, #tpu.memory_space<semaphore_mem>>)
      %dma_wait3A_33 = tpu.memref_slice %arg3[%multiple_of3A] : memref<320000xi32, #tpu.memory_space<hbm>> -> memref<16xi32, #tpu.memory_space<hbm>>
      %dma_wait3A_34 = tpu.memref_slice %arg3[%multiple_of3A] : memref<320000xi32, #tpu.memory_space<hbm>> -> memref<16xi32, #tpu.memory_space<hbm>>
      tpu.wait_dma2 semaphore(%run_scoped3A : memref<!tpu.dma_semaphore, #tpu.memory_space<semaphore_mem>>) src(%dma_wait3A_34 : memref<16xi32, #tpu.memory_space<hbm>>) dst(%arg17 : memref<16xi32, #tpu.memory_space<vmem>>)
      tpu.yield
    }) : () -> ()
    "tpu.region"() ({
      %run_scoped3A = tpu.sem_alloc : memref<!tpu.dma_semaphore, #tpu.memory_space<semaphore_mem>>
      %dma_start3A_31 = tpu.memref_slice %arg4[%multiple_of3A] : memref<320000xi32, #tpu.memory_space<hbm>> -> memref<16xi32, #tpu.memory_space<hbm>>
      %dma_start3A_32 = tpu.memref_slice %arg4[%multiple_of3A] : memref<320000xi32, #tpu.memory_space<hbm>> -> memref<16xi32, #tpu.memory_space<hbm>>
      tpu.enqueue_dma source(%dma_start3A_32 : memref<16xi32, #tpu.memory_space<hbm>>) target(%arg18 : memref<16xi32, #tpu.memory_space<vmem>>) target_semaphore(%run_scoped3A : memref<!tpu.dma_semaphore, #tpu.memory_space<semaphore_mem>>)
      %dma_wait3A_33 = tpu.memref_slice %arg4[%multiple_of3A] : memref<320000xi32, #tpu.memory_space<hbm>> -> memref<16xi32, #tpu.memory_space<hbm>>
      %dma_wait3A_34 = tpu.memref_slice %arg4[%multiple_of3A] : memref<320000xi32, #tpu.memory_space<hbm>> -> memref<16xi32, #tpu.memory_space<hbm>>
      tpu.wait_dma2 semaphore(%run_scoped3A : memref<!tpu.dma_semaphore, #tpu.memory_space<semaphore_mem>>) src(%dma_wait3A_34 : memref<16xi32, #tpu.memory_space<hbm>>) dst(%arg18 : memref<16xi32, #tpu.memory_space<vmem>>)
      tpu.yield
    }) : () -> ()
    %dma_start3A = arith.constant 0 : i32
    %dma_start3A_16 = arith.constant 0 : i32
    %dma_start3A_17 = tpu.memref_slice %arg2[%dma_start3A, %dma_start3A_16] : memref<10000x128xf32, #tpu.memory_space<hbm>> -> memref<10000x128xf32, #tpu.memory_space<hbm>>
    tpu.enqueue_indirect_dma source(%dma_start3A_17 : memref<10000x128xf32, #tpu.memory_space<hbm>>) target(%arg19 : memref<16x128xf32, #tpu.memory_space<vmem>>) offsets(%arg17 : memref<16xi32, #tpu.memory_space<vmem>>) semaphore(%arg13 : memref<!tpu.dma_semaphore, #tpu.memory_space<semaphore_mem>>)
    %dma_wait3A = arith.constant 0 : i32
    %dma_wait3A_18 = arith.constant 0 : i32
    %dma_wait3A_19 = tpu.memref_slice %arg2[%dma_wait3A, %dma_wait3A_18] : memref<10000x128xf32, #tpu.memory_space<hbm>> -> memref<10000x128xf32, #tpu.memory_space<hbm>>
    tpu.wait_indirect_dma semaphore(%arg13 : memref<!tpu.dma_semaphore, #tpu.memory_space<semaphore_mem>>) src(%dma_wait3A_19 : memref<10000x128xf32, #tpu.memory_space<hbm>>) dst(%arg19 : memref<16x128xf32, #tpu.memory_space<vmem>>)
    "tpu.region"() ({
      %run_scoped3A = tpu.sem_alloc : memref<!tpu.dma_semaphore, #tpu.memory_space<semaphore_mem>>
      %dma_start3A_31 = arith.constant 0 : i32
      %dma_start3A_32 = arith.constant 0 : i32
      %dma_start3A_33 = tpu.memref_slice %arg6[%dma_start3A_31, %dma_start3A_32] : memref<10000x128xf32, #tpu.memory_space<vmem_shared>> -> memref<10000x128xf32, #tpu.memory_space<vmem_shared>>
      tpu.enqueue_indirect_dma source(%arg19 : memref<16x128xf32, #tpu.memory_space<vmem>>) target(%dma_start3A_33 : memref<10000x128xf32, #tpu.memory_space<vmem_shared>>) offsets(%arg18 : memref<16xi32, #tpu.memory_space<vmem>>) semaphore(%run_scoped3A : memref<!tpu.dma_semaphore, #tpu.memory_space<semaphore_mem>>) {add = true}
      %dma_wait3A_34 = arith.constant 0 : i32
      %dma_wait3A_35 = arith.constant 0 : i32
      %dma_wait3A_36 = tpu.memref_slice %arg6[%dma_wait3A_34, %dma_wait3A_35] : memref<10000x128xf32, #tpu.memory_space<vmem_shared>> -> memref<10000x128xf32, #tpu.memory_space<vmem_shared>>
      tpu.wait_indirect_dma semaphore(%run_scoped3A : memref<!tpu.dma_semaphore, #tpu.memory_space<semaphore_mem>>) src(%arg19 : memref<16x128xf32, #tpu.memory_space<vmem>>) dst(%dma_wait3A_36 : memref<10000x128xf32, #tpu.memory_space<vmem_shared>>)
      tpu.yield
    }) : () -> ()
    %barrier3A_20 = arith.constant 0 : index
    tpu.barrier barrier_id(%barrier3A_20)
    %lt3A_21 = arith.constant 15 : i32
    %lt3A_22 = arith.cmpi slt, %arg1, %lt3A_21 : i32
    %convert_element_type3A_23 = arith.extui %lt3A_22 : i1 to i32
    %cond3A_24 = arith.constant 0 : i32
    %cond3A_25 = arith.cmpi ne, %convert_element_type3A_23, %cond3A_24 : i32
    scf.if %cond3A_25 {
      %mul3A_31 = arith.constant 632 : i32
      %mul3A_32 = arith.muli %arg1, %mul3A_31 : i32
      %multiple_of3A_33 = tpu.assume_multiple %mul3A_32, 8 : i32
      "tpu.region"() ({
        %run_scoped3A = tpu.sem_alloc : memref<!tpu.dma_semaphore, #tpu.memory_space<semaphore_mem>>
        %dma_start3A_34 = arith.constant 0 : i32
        %dma_start3A_35 = tpu.memref_slice %arg5[%arg0, %multiple_of3A_33, %dma_start3A_34] : memref<2x10000x128xf32, #tpu.memory_space<hbm>> -> memref<1x632x128xf32, #tpu.memory_space<hbm>>
        %dma_start3A_36 = tpu.memref_squeeze %dma_start3A_35 : memref<1x632x128xf32, #tpu.memory_space<hbm>> -> memref<632x128xf32, #tpu.memory_space<hbm>>
        %dma_start3A_37 = arith.constant 0 : i32
        %dma_start3A_38 = tpu.memref_slice %arg6[%multiple_of3A_33, %dma_start3A_37] : memref<10000x128xf32, #tpu.memory_space<vmem_shared>> -> memref<632x128xf32, #tpu.memory_space<vmem_shared>>
        tpu.enqueue_dma source(%dma_start3A_38 : memref<632x128xf32, #tpu.memory_space<vmem_shared>>) target(%dma_start3A_36 : memref<632x128xf32, #tpu.memory_space<hbm>>) target_semaphore(%run_scoped3A : memref<!tpu.dma_semaphore, #tpu.memory_space<semaphore_mem>>)
        %dma_wait3A_39 = arith.constant 0 : i32
        %dma_wait3A_40 = tpu.memref_slice %arg5[%arg0, %multiple_of3A_33, %dma_wait3A_39] : memref<2x10000x128xf32, #tpu.memory_space<hbm>> -> memref<1x632x128xf32, #tpu.memory_space<hbm>>
        %dma_wait3A_41 = tpu.memref_squeeze %dma_wait3A_40 : memref<1x632x128xf32, #tpu.memory_space<hbm>> -> memref<632x128xf32, #tpu.memory_space<hbm>>
        %dma_wait3A_42 = arith.constant 0 : i32
        %dma_wait3A_43 = tpu.memref_slice %arg6[%multiple_of3A_33, %dma_wait3A_42] : memref<10000x128xf32, #tpu.memory_space<vmem_shared>> -> memref<632x128xf32, #tpu.memory_space<vmem_shared>>
        tpu.wait_dma2 semaphore(%run_scoped3A : memref<!tpu.dma_semaphore, #tpu.memory_space<semaphore_mem>>) src(%dma_wait3A_43 : memref<632x128xf32, #tpu.memory_space<vmem_shared>>) dst(%dma_wait3A_41 : memref<632x128xf32, #tpu.memory_space<hbm>>)
        tpu.yield
      }) : () -> ()
    } else {
    }
    %eq3A_26 = arith.constant 15 : i32
    %eq3A_27 = arith.cmpi eq, %arg1, %eq3A_26 : i32
    %convert_element_type3A_28 = arith.extui %eq3A_27 : i1 to i32
    %cond3A_29 = arith.constant 0 : i32
    %cond3A_30 = arith.cmpi ne, %convert_element_type3A_28, %cond3A_29 : i32
    scf.if %cond3A_30 {
      "tpu.region"() ({
        %run_scoped3A = tpu.sem_alloc : memref<!tpu.dma_semaphore, #tpu.memory_space<semaphore_mem>>
        %dma_start3A_31 = arith.constant 9480 : i32
        %dma_start3A_32 = arith.constant 0 : i32
        %dma_start3A_33 = tpu.memref_slice %arg5[%arg0, %dma_start3A_31, %dma_start3A_32] : memref<2x10000x128xf32, #tpu.memory_space<hbm>> -> memref<1x520x128xf32, #tpu.memory_space<hbm>>
        %dma_start3A_34 = tpu.memref_squeeze %dma_start3A_33 : memref<1x520x128xf32, #tpu.memory_space<hbm>> -> memref<520x128xf32, #tpu.memory_space<hbm>>
        %dma_start3A_35 = arith.constant 9480 : i32
        %dma_start3A_36 = arith.constant 0 : i32
        %dma_start3A_37 = tpu.memref_slice %arg6[%dma_start3A_35, %dma_start3A_36] : memref<10000x128xf32, #tpu.memory_space<vmem_shared>> -> memref<520x128xf32, #tpu.memory_space<vmem_shared>>
        tpu.enqueue_dma source(%dma_start3A_37 : memref<520x128xf32, #tpu.memory_space<vmem_shared>>) target(%dma_start3A_34 : memref<520x128xf32, #tpu.memory_space<hbm>>) target_semaphore(%run_scoped3A : memref<!tpu.dma_semaphore, #tpu.memory_space<semaphore_mem>>)
        %dma_wait3A_38 = arith.constant 9480 : i32
        %dma_wait3A_39 = arith.constant 0 : i32
        %dma_wait3A_40 = tpu.memref_slice %arg5[%arg0, %dma_wait3A_38, %dma_wait3A_39] : memref<2x10000x128xf32, #tpu.memory_space<hbm>> -> memref<1x520x128xf32, #tpu.memory_space<hbm>>
        %dma_wait3A_41 = tpu.memref_squeeze %dma_wait3A_40 : memref<1x520x128xf32, #tpu.memory_space<hbm>> -> memref<520x128xf32, #tpu.memory_space<hbm>>
        %dma_wait3A_42 = arith.constant 9480 : i32
        %dma_wait3A_43 = arith.constant 0 : i32
        %dma_wait3A_44 = tpu.memref_slice %arg6[%dma_wait3A_42, %dma_wait3A_43] : memref<10000x128xf32, #tpu.memory_space<vmem_shared>> -> memref<520x128xf32, #tpu.memory_space<vmem_shared>>
        tpu.wait_dma2 semaphore(%run_scoped3A : memref<!tpu.dma_semaphore, #tpu.memory_space<semaphore_mem>>) src(%dma_wait3A_44 : memref<520x128xf32, #tpu.memory_space<vmem_shared>>) dst(%dma_wait3A_41 : memref<520x128xf32, #tpu.memory_space<hbm>>)
        tpu.yield
      }) : () -> ()
    } else {
    }
    return
  }
}

#map = affine_map<(d0, d1) -> (0, 0)>
#map1 = affine_map<(d0, d1) -> (0)>
#map2 = affine_map<(d0, d1) -> (0, 0, 0)>
module attributes {stable_mosaic.version = 14 : i64} {
  func.func @segsum(%arg0: i32, %arg1: i32, %arg2: memref<10000x128xf32, #tpu.memory_space<hbm>>, %arg3: memref<320000xi32, #tpu.memory_space<hbm>>, %arg4: memref<320000xi32, #tpu.memory_space<hbm>>, %arg5: memref<2x10000x128xf32, #tpu.memory_space<hbm>>, %arg6: memref<10000x128xf32, #tpu.memory_space<vmem_shared>>, %arg7: memref<128xi32, #tpu.memory_space<vmem>>, %arg8: memref<128xi32, #tpu.memory_space<vmem>>, %arg9: memref<128xi32, #tpu.memory_space<vmem>>, %arg10: memref<128xi32, #tpu.memory_space<vmem>>, %arg11: memref<128x128xf32, #tpu.memory_space<vmem>>, %arg12: memref<128x128xf32, #tpu.memory_space<vmem>>, %arg13: memref<!tpu.dma_semaphore, #tpu.memory_space<semaphore_mem>>, %arg14: memref<!tpu.dma_semaphore, #tpu.memory_space<semaphore_mem>>, %arg15: memref<!tpu.dma_semaphore, #tpu.memory_space<semaphore_mem>>, %arg16: memref<!tpu.dma_semaphore, #tpu.memory_space<semaphore_mem>>, %arg17: memref<16xi32, #tpu.memory_space<vmem>>, %arg18: memref<16xi32, #tpu.memory_space<vmem>>, %arg19: memref<16x128xf32, #tpu.memory_space<vmem>>) attributes {dimension_semantics = [#tpu.dimension_semantics<core_parallel>, #tpu.dimension_semantics<subcore_parallel>], iteration_bounds = array<i64: 2, 16>, scalar_prefetch = 0 : i64, scratch_operands = 14 : i64, tpu.core_type = #tpu.core_type<sc_vector_subcore>, window_params = [{transform_indices = #map}, {transform_indices = #map1}, {transform_indices = #map1}, {transform_indices = #map2}]} {
    %mul3A = arith.constant 16 : i32
    %mul3A_0 = arith.muli %arg0, %mul3A : i32
    %add3A = arith.addi %mul3A_0, %arg1 : i32
    %lt3A = arith.constant 15 : i32
    %lt3A_1 = arith.cmpi slt, %arg1, %lt3A : i32
    %convert_element_type3A = arith.extui %lt3A_1 : i1 to i32
    %cond3A = arith.constant 0 : i32
    %cond3A_2 = arith.cmpi ne, %convert_element_type3A, %cond3A : i32
    scf.if %cond3A_2 {
      %mul3A_31 = arith.constant 632 : i32
      %mul3A_32 = arith.muli %arg1, %mul3A_31 : i32
      %multiple_of3A_33 = tpu.assume_multiple %mul3A_32, 8 : i32
      "tpu.region"() ({
        %run_scoped3A = tpu.sem_alloc : memref<!tpu.dma_semaphore, #tpu.memory_space<semaphore_mem>>
        %dma_start3A_34 = arith.constant 0 : i32
        %dma_start3A_35 = tpu.memref_slice %arg6[%multiple_of3A_33, %dma_start3A_34] : memref<10000x128xf32, #tpu.memory_space<vmem_shared>> -> memref<632x128xf32, #tpu.memory_space<vmem_shared>>
        %dma_start3A_36 = arith.constant 0 : i32
        %dma_start3A_37 = tpu.memref_slice %arg2[%multiple_of3A_33, %dma_start3A_36] : memref<10000x128xf32, #tpu.memory_space<hbm>> -> memref<632x128xf32, #tpu.memory_space<hbm>>
        tpu.enqueue_dma source(%dma_start3A_37 : memref<632x128xf32, #tpu.memory_space<hbm>>) target(%dma_start3A_35 : memref<632x128xf32, #tpu.memory_space<vmem_shared>>) target_semaphore(%run_scoped3A : memref<!tpu.dma_semaphore, #tpu.memory_space<semaphore_mem>>)
        %dma_wait3A_38 = arith.constant 0 : i32
        %dma_wait3A_39 = tpu.memref_slice %arg6[%multiple_of3A_33, %dma_wait3A_38] : memref<10000x128xf32, #tpu.memory_space<vmem_shared>> -> memref<632x128xf32, #tpu.memory_space<vmem_shared>>
        %dma_wait3A_40 = arith.constant 0 : i32
        %dma_wait3A_41 = tpu.memref_slice %arg2[%multiple_of3A_33, %dma_wait3A_40] : memref<10000x128xf32, #tpu.memory_space<hbm>> -> memref<632x128xf32, #tpu.memory_space<hbm>>
        tpu.wait_dma2 semaphore(%run_scoped3A : memref<!tpu.dma_semaphore, #tpu.memory_space<semaphore_mem>>) src(%dma_wait3A_41 : memref<632x128xf32, #tpu.memory_space<hbm>>) dst(%dma_wait3A_39 : memref<632x128xf32, #tpu.memory_space<vmem_shared>>)
        tpu.yield
      }) : () -> ()
    } else {
    }
    %eq3A = arith.constant 15 : i32
    %eq3A_3 = arith.cmpi eq, %arg1, %eq3A : i32
    %convert_element_type3A_4 = arith.extui %eq3A_3 : i1 to i32
    %cond3A_5 = arith.constant 0 : i32
    %cond3A_6 = arith.cmpi ne, %convert_element_type3A_4, %cond3A_5 : i32
    scf.if %cond3A_6 {
      "tpu.region"() ({
        %run_scoped3A = tpu.sem_alloc : memref<!tpu.dma_semaphore, #tpu.memory_space<semaphore_mem>>
        %dma_start3A_31 = arith.constant 9480 : i32
        %dma_start3A_32 = arith.constant 0 : i32
        %dma_start3A_33 = tpu.memref_slice %arg6[%dma_start3A_31, %dma_start3A_32] : memref<10000x128xf32, #tpu.memory_space<vmem_shared>> -> memref<520x128xf32, #tpu.memory_space<vmem_shared>>
        %dma_start3A_34 = arith.constant 9480 : i32
        %dma_start3A_35 = arith.constant 0 : i32
        %dma_start3A_36 = tpu.memref_slice %arg2[%dma_start3A_34, %dma_start3A_35] : memref<10000x128xf32, #tpu.memory_space<hbm>> -> memref<520x128xf32, #tpu.memory_space<hbm>>
        tpu.enqueue_dma source(%dma_start3A_36 : memref<520x128xf32, #tpu.memory_space<hbm>>) target(%dma_start3A_33 : memref<520x128xf32, #tpu.memory_space<vmem_shared>>) target_semaphore(%run_scoped3A : memref<!tpu.dma_semaphore, #tpu.memory_space<semaphore_mem>>)
        %dma_wait3A_37 = arith.constant 9480 : i32
        %dma_wait3A_38 = arith.constant 0 : i32
        %dma_wait3A_39 = tpu.memref_slice %arg6[%dma_wait3A_37, %dma_wait3A_38] : memref<10000x128xf32, #tpu.memory_space<vmem_shared>> -> memref<520x128xf32, #tpu.memory_space<vmem_shared>>
        %dma_wait3A_40 = arith.constant 9480 : i32
        %dma_wait3A_41 = arith.constant 0 : i32
        %dma_wait3A_42 = tpu.memref_slice %arg2[%dma_wait3A_40, %dma_wait3A_41] : memref<10000x128xf32, #tpu.memory_space<hbm>> -> memref<520x128xf32, #tpu.memory_space<hbm>>
        tpu.wait_dma2 semaphore(%run_scoped3A : memref<!tpu.dma_semaphore, #tpu.memory_space<semaphore_mem>>) src(%dma_wait3A_42 : memref<520x128xf32, #tpu.memory_space<hbm>>) dst(%dma_wait3A_39 : memref<520x128xf32, #tpu.memory_space<vmem_shared>>)
        tpu.yield
      }) : () -> ()
    } else {
    }
    %barrier3A = arith.constant 0 : index
    tpu.barrier barrier_id(%barrier3A)
    %mul3A_7 = arith.constant 10000 : i32
    %mul3A_8 = arith.muli %add3A, %mul3A_7 : i32
    %scan3A = arith.constant 0 : i32
    %scan3A_9 = arith.constant 0 : i32
    %scan3A_10 = arith.constant 39 : i32
    %scan3A_11 = arith.addi %scan3A_9, %scan3A_10 : i32
    %scan3A_12 = arith.constant 1 : i32
    scf.for %scan3A_31 = %scan3A_9 to %scan3A_11 step %scan3A_12  : i32 {
      %mul3A_32 = arith.constant 2 : i32
      %mul3A_33 = arith.muli %mul3A_32, %scan3A_31 : i32
      %mul3A_34 = arith.constant 128 : i32
      %mul3A_35 = arith.muli %mul3A_33, %mul3A_34 : i32
      %add3A_36 = arith.addi %mul3A_8, %mul3A_35 : i32
      %multiple_of3A_37 = tpu.assume_multiple %add3A_36, 8 : i32
      "tpu.region"() ({
        %run_scoped3A = tpu.sem_alloc : memref<!tpu.dma_semaphore, #tpu.memory_space<semaphore_mem>>
        %dma_start3A_70 = tpu.memref_slice %arg3[%multiple_of3A_37] : memref<320000xi32, #tpu.memory_space<hbm>> -> memref<128xi32, #tpu.memory_space<hbm>>
        %dma_start3A_71 = tpu.memref_slice %arg3[%multiple_of3A_37] : memref<320000xi32, #tpu.memory_space<hbm>> -> memref<128xi32, #tpu.memory_space<hbm>>
        tpu.enqueue_dma source(%dma_start3A_71 : memref<128xi32, #tpu.memory_space<hbm>>) target(%arg7 : memref<128xi32, #tpu.memory_space<vmem>>) target_semaphore(%run_scoped3A : memref<!tpu.dma_semaphore, #tpu.memory_space<semaphore_mem>>)
        %dma_wait3A_72 = tpu.memref_slice %arg3[%multiple_of3A_37] : memref<320000xi32, #tpu.memory_space<hbm>> -> memref<128xi32, #tpu.memory_space<hbm>>
        %dma_wait3A_73 = tpu.memref_slice %arg3[%multiple_of3A_37] : memref<320000xi32, #tpu.memory_space<hbm>> -> memref<128xi32, #tpu.memory_space<hbm>>
        tpu.wait_dma2 semaphore(%run_scoped3A : memref<!tpu.dma_semaphore, #tpu.memory_space<semaphore_mem>>) src(%dma_wait3A_73 : memref<128xi32, #tpu.memory_space<hbm>>) dst(%arg7 : memref<128xi32, #tpu.memory_space<vmem>>)
        tpu.yield
      }) : () -> ()
      "tpu.region"() ({
        %run_scoped3A = tpu.sem_alloc : memref<!tpu.dma_semaphore, #tpu.memory_space<semaphore_mem>>
        %dma_start3A_70 = tpu.memref_slice %arg4[%multiple_of3A_37] : memref<320000xi32, #tpu.memory_space<hbm>> -> memref<128xi32, #tpu.memory_space<hbm>>
        %dma_start3A_71 = tpu.memref_slice %arg4[%multiple_of3A_37] : memref<320000xi32, #tpu.memory_space<hbm>> -> memref<128xi32, #tpu.memory_space<hbm>>
        tpu.enqueue_dma source(%dma_start3A_71 : memref<128xi32, #tpu.memory_space<hbm>>) target(%arg8 : memref<128xi32, #tpu.memory_space<vmem>>) target_semaphore(%run_scoped3A : memref<!tpu.dma_semaphore, #tpu.memory_space<semaphore_mem>>)
        %dma_wait3A_72 = tpu.memref_slice %arg4[%multiple_of3A_37] : memref<320000xi32, #tpu.memory_space<hbm>> -> memref<128xi32, #tpu.memory_space<hbm>>
        %dma_wait3A_73 = tpu.memref_slice %arg4[%multiple_of3A_37] : memref<320000xi32, #tpu.memory_space<hbm>> -> memref<128xi32, #tpu.memory_space<hbm>>
        tpu.wait_dma2 semaphore(%run_scoped3A : memref<!tpu.dma_semaphore, #tpu.memory_space<semaphore_mem>>) src(%dma_wait3A_73 : memref<128xi32, #tpu.memory_space<hbm>>) dst(%arg8 : memref<128xi32, #tpu.memory_space<vmem>>)
        tpu.yield
      }) : () -> ()
      %dma_start3A_38 = arith.constant 0 : i32
      %dma_start3A_39 = arith.constant 0 : i32
      %dma_start3A_40 = tpu.memref_slice %arg2[%dma_start3A_38, %dma_start3A_39] : memref<10000x128xf32, #tpu.memory_space<hbm>> -> memref<10000x128xf32, #tpu.memory_space<hbm>>
      tpu.enqueue_indirect_dma source(%dma_start3A_40 : memref<10000x128xf32, #tpu.memory_space<hbm>>) target(%arg11 : memref<128x128xf32, #tpu.memory_space<vmem>>) offsets(%arg7 : memref<128xi32, #tpu.memory_space<vmem>>) semaphore(%arg13 : memref<!tpu.dma_semaphore, #tpu.memory_space<semaphore_mem>>)
      %mul3A_41 = arith.constant 2 : i32
      %mul3A_42 = arith.muli %mul3A_41, %scan3A_31 : i32
      %add3A_43 = arith.constant 1 : i32
      %add3A_44 = arith.addi %mul3A_42, %add3A_43 : i32
      %mul3A_45 = arith.constant 128 : i32
      %mul3A_46 = arith.muli %add3A_44, %mul3A_45 : i32
      %add3A_47 = arith.addi %mul3A_8, %mul3A_46 : i32
      %multiple_of3A_48 = tpu.assume_multiple %add3A_47, 8 : i32
      "tpu.region"() ({
        %run_scoped3A = tpu.sem_alloc : memref<!tpu.dma_semaphore, #tpu.memory_space<semaphore_mem>>
        %dma_start3A_70 = tpu.memref_slice %arg3[%multiple_of3A_48] : memref<320000xi32, #tpu.memory_space<hbm>> -> memref<128xi32, #tpu.memory_space<hbm>>
        %dma_start3A_71 = tpu.memref_slice %arg3[%multiple_of3A_48] : memref<320000xi32, #tpu.memory_space<hbm>> -> memref<128xi32, #tpu.memory_space<hbm>>
        tpu.enqueue_dma source(%dma_start3A_71 : memref<128xi32, #tpu.memory_space<hbm>>) target(%arg9 : memref<128xi32, #tpu.memory_space<vmem>>) target_semaphore(%run_scoped3A : memref<!tpu.dma_semaphore, #tpu.memory_space<semaphore_mem>>)
        %dma_wait3A_72 = tpu.memref_slice %arg3[%multiple_of3A_48] : memref<320000xi32, #tpu.memory_space<hbm>> -> memref<128xi32, #tpu.memory_space<hbm>>
        %dma_wait3A_73 = tpu.memref_slice %arg3[%multiple_of3A_48] : memref<320000xi32, #tpu.memory_space<hbm>> -> memref<128xi32, #tpu.memory_space<hbm>>
        tpu.wait_dma2 semaphore(%run_scoped3A : memref<!tpu.dma_semaphore, #tpu.memory_space<semaphore_mem>>) src(%dma_wait3A_73 : memref<128xi32, #tpu.memory_space<hbm>>) dst(%arg9 : memref<128xi32, #tpu.memory_space<vmem>>)
        tpu.yield
      }) : () -> ()
      "tpu.region"() ({
        %run_scoped3A = tpu.sem_alloc : memref<!tpu.dma_semaphore, #tpu.memory_space<semaphore_mem>>
        %dma_start3A_70 = tpu.memref_slice %arg4[%multiple_of3A_48] : memref<320000xi32, #tpu.memory_space<hbm>> -> memref<128xi32, #tpu.memory_space<hbm>>
        %dma_start3A_71 = tpu.memref_slice %arg4[%multiple_of3A_48] : memref<320000xi32, #tpu.memory_space<hbm>> -> memref<128xi32, #tpu.memory_space<hbm>>
        tpu.enqueue_dma source(%dma_start3A_71 : memref<128xi32, #tpu.memory_space<hbm>>) target(%arg10 : memref<128xi32, #tpu.memory_space<vmem>>) target_semaphore(%run_scoped3A : memref<!tpu.dma_semaphore, #tpu.memory_space<semaphore_mem>>)
        %dma_wait3A_72 = tpu.memref_slice %arg4[%multiple_of3A_48] : memref<320000xi32, #tpu.memory_space<hbm>> -> memref<128xi32, #tpu.memory_space<hbm>>
        %dma_wait3A_73 = tpu.memref_slice %arg4[%multiple_of3A_48] : memref<320000xi32, #tpu.memory_space<hbm>> -> memref<128xi32, #tpu.memory_space<hbm>>
        tpu.wait_dma2 semaphore(%run_scoped3A : memref<!tpu.dma_semaphore, #tpu.memory_space<semaphore_mem>>) src(%dma_wait3A_73 : memref<128xi32, #tpu.memory_space<hbm>>) dst(%arg10 : memref<128xi32, #tpu.memory_space<vmem>>)
        tpu.yield
      }) : () -> ()
      %dma_start3A_49 = arith.constant 0 : i32
      %dma_start3A_50 = arith.constant 0 : i32
      %dma_start3A_51 = tpu.memref_slice %arg2[%dma_start3A_49, %dma_start3A_50] : memref<10000x128xf32, #tpu.memory_space<hbm>> -> memref<10000x128xf32, #tpu.memory_space<hbm>>
      tpu.enqueue_indirect_dma source(%dma_start3A_51 : memref<10000x128xf32, #tpu.memory_space<hbm>>) target(%arg12 : memref<128x128xf32, #tpu.memory_space<vmem>>) offsets(%arg9 : memref<128xi32, #tpu.memory_space<vmem>>) semaphore(%arg14 : memref<!tpu.dma_semaphore, #tpu.memory_space<semaphore_mem>>)
      %dma_wait3A_52 = arith.constant 0 : i32
      %dma_wait3A_53 = arith.constant 0 : i32
      %dma_wait3A_54 = tpu.memref_slice %arg2[%dma_wait3A_52, %dma_wait3A_53] : memref<10000x128xf32, #tpu.memory_space<hbm>> -> memref<10000x128xf32, #tpu.memory_space<hbm>>
      tpu.wait_indirect_dma semaphore(%arg13 : memref<!tpu.dma_semaphore, #tpu.memory_space<semaphore_mem>>) src(%dma_wait3A_54 : memref<10000x128xf32, #tpu.memory_space<hbm>>) dst(%arg11 : memref<128x128xf32, #tpu.memory_space<vmem>>)
      %dma_start3A_55 = arith.constant 0 : i32
      %dma_start3A_56 = arith.constant 0 : i32
      %dma_start3A_57 = tpu.memref_slice %arg6[%dma_start3A_55, %dma_start3A_56] : memref<10000x128xf32, #tpu.memory_space<vmem_shared>> -> memref<10000x128xf32, #tpu.memory_space<vmem_shared>>
      tpu.enqueue_indirect_dma source(%arg11 : memref<128x128xf32, #tpu.memory_space<vmem>>) target(%dma_start3A_57 : memref<10000x128xf32, #tpu.memory_space<vmem_shared>>) offsets(%arg8 : memref<128xi32, #tpu.memory_space<vmem>>) semaphore(%arg15 : memref<!tpu.dma_semaphore, #tpu.memory_space<semaphore_mem>>) {add = true}
      %dma_wait3A_58 = arith.constant 0 : i32
      %dma_wait3A_59 = arith.constant 0 : i32
      %dma_wait3A_60 = tpu.memref_slice %arg2[%dma_wait3A_58, %dma_wait3A_59] : memref<10000x128xf32, #tpu.memory_space<hbm>> -> memref<10000x128xf32, #tpu.memory_space<hbm>>
      tpu.wait_indirect_dma semaphore(%arg14 : memref<!tpu.dma_semaphore, #tpu.memory_space<semaphore_mem>>) src(%dma_wait3A_60 : memref<10000x128xf32, #tpu.memory_space<hbm>>) dst(%arg12 : memref<128x128xf32, #tpu.memory_space<vmem>>)
      %dma_start3A_61 = arith.constant 0 : i32
      %dma_start3A_62 = arith.constant 0 : i32
      %dma_start3A_63 = tpu.memref_slice %arg6[%dma_start3A_61, %dma_start3A_62] : memref<10000x128xf32, #tpu.memory_space<vmem_shared>> -> memref<10000x128xf32, #tpu.memory_space<vmem_shared>>
      tpu.enqueue_indirect_dma source(%arg12 : memref<128x128xf32, #tpu.memory_space<vmem>>) target(%dma_start3A_63 : memref<10000x128xf32, #tpu.memory_space<vmem_shared>>) offsets(%arg10 : memref<128xi32, #tpu.memory_space<vmem>>) semaphore(%arg16 : memref<!tpu.dma_semaphore, #tpu.memory_space<semaphore_mem>>) {add = true}
      %dma_wait3A_64 = arith.constant 0 : i32
      %dma_wait3A_65 = arith.constant 0 : i32
      %dma_wait3A_66 = tpu.memref_slice %arg6[%dma_wait3A_64, %dma_wait3A_65] : memref<10000x128xf32, #tpu.memory_space<vmem_shared>> -> memref<10000x128xf32, #tpu.memory_space<vmem_shared>>
      tpu.wait_indirect_dma semaphore(%arg15 : memref<!tpu.dma_semaphore, #tpu.memory_space<semaphore_mem>>) src(%arg11 : memref<128x128xf32, #tpu.memory_space<vmem>>) dst(%dma_wait3A_66 : memref<10000x128xf32, #tpu.memory_space<vmem_shared>>)
      %dma_wait3A_67 = arith.constant 0 : i32
      %dma_wait3A_68 = arith.constant 0 : i32
      %dma_wait3A_69 = tpu.memref_slice %arg6[%dma_wait3A_67, %dma_wait3A_68] : memref<10000x128xf32, #tpu.memory_space<vmem_shared>> -> memref<10000x128xf32, #tpu.memory_space<vmem_shared>>
      tpu.wait_indirect_dma semaphore(%arg16 : memref<!tpu.dma_semaphore, #tpu.memory_space<semaphore_mem>>) src(%arg12 : memref<128x128xf32, #tpu.memory_space<vmem>>) dst(%dma_wait3A_69 : memref<10000x128xf32, #tpu.memory_space<vmem_shared>>)
    }
    %scan3A_13 = arith.constant 39 : i32
    %add3A_14 = arith.constant 9984 : i32
    %add3A_15 = arith.addi %mul3A_8, %add3A_14 : i32
    %multiple_of3A = tpu.assume_multiple %add3A_15, 8 : i32
    "tpu.region"() ({
      %run_scoped3A = tpu.sem_alloc : memref<!tpu.dma_semaphore, #tpu.memory_space<semaphore_mem>>
      %dma_start3A_31 = tpu.memref_slice %arg3[%multiple_of3A] : memref<320000xi32, #tpu.memory_space<hbm>> -> memref<16xi32, #tpu.memory_space<hbm>>
      %dma_start3A_32 = tpu.memref_slice %arg3[%multiple_of3A] : memref<320000xi32, #tpu.memory_space<hbm>> -> memref<16xi32, #tpu.memory_space<hbm>>
      tpu.enqueue_dma source(%dma_start3A_32 : memref<16xi32, #tpu.memory_space<hbm>>) target(%arg17 : memref<16xi32, #tpu.memory_space<vmem>>) target_semaphore(%run_scoped3A : memref<!tpu.dma_semaphore, #tpu.memory_space<semaphore_mem>>)
      %dma_wait3A_33 = tpu.memref_slice %arg3[%multiple_of3A] : memref<320000xi32, #tpu.memory_space<hbm>> -> memref<16xi32, #tpu.memory_space<hbm>>
      %dma_wait3A_34 = tpu.memref_slice %arg3[%multiple_of3A] : memref<320000xi32, #tpu.memory_space<hbm>> -> memref<16xi32, #tpu.memory_space<hbm>>
      tpu.wait_dma2 semaphore(%run_scoped3A : memref<!tpu.dma_semaphore, #tpu.memory_space<semaphore_mem>>) src(%dma_wait3A_34 : memref<16xi32, #tpu.memory_space<hbm>>) dst(%arg17 : memref<16xi32, #tpu.memory_space<vmem>>)
      tpu.yield
    }) : () -> ()
    "tpu.region"() ({
      %run_scoped3A = tpu.sem_alloc : memref<!tpu.dma_semaphore, #tpu.memory_space<semaphore_mem>>
      %dma_start3A_31 = tpu.memref_slice %arg4[%multiple_of3A] : memref<320000xi32, #tpu.memory_space<hbm>> -> memref<16xi32, #tpu.memory_space<hbm>>
      %dma_start3A_32 = tpu.memref_slice %arg4[%multiple_of3A] : memref<320000xi32, #tpu.memory_space<hbm>> -> memref<16xi32, #tpu.memory_space<hbm>>
      tpu.enqueue_dma source(%dma_start3A_32 : memref<16xi32, #tpu.memory_space<hbm>>) target(%arg18 : memref<16xi32, #tpu.memory_space<vmem>>) target_semaphore(%run_scoped3A : memref<!tpu.dma_semaphore, #tpu.memory_space<semaphore_mem>>)
      %dma_wait3A_33 = tpu.memref_slice %arg4[%multiple_of3A] : memref<320000xi32, #tpu.memory_space<hbm>> -> memref<16xi32, #tpu.memory_space<hbm>>
      %dma_wait3A_34 = tpu.memref_slice %arg4[%multiple_of3A] : memref<320000xi32, #tpu.memory_space<hbm>> -> memref<16xi32, #tpu.memory_space<hbm>>
      tpu.wait_dma2 semaphore(%run_scoped3A : memref<!tpu.dma_semaphore, #tpu.memory_space<semaphore_mem>>) src(%dma_wait3A_34 : memref<16xi32, #tpu.memory_space<hbm>>) dst(%arg18 : memref<16xi32, #tpu.memory_space<vmem>>)
      tpu.yield
    }) : () -> ()
    %dma_start3A = arith.constant 0 : i32
    %dma_start3A_16 = arith.constant 0 : i32
    %dma_start3A_17 = tpu.memref_slice %arg2[%dma_start3A, %dma_start3A_16] : memref<10000x128xf32, #tpu.memory_space<hbm>> -> memref<10000x128xf32, #tpu.memory_space<hbm>>
    tpu.enqueue_indirect_dma source(%dma_start3A_17 : memref<10000x128xf32, #tpu.memory_space<hbm>>) target(%arg19 : memref<16x128xf32, #tpu.memory_space<vmem>>) offsets(%arg17 : memref<16xi32, #tpu.memory_space<vmem>>) semaphore(%arg13 : memref<!tpu.dma_semaphore, #tpu.memory_space<semaphore_mem>>)
    %dma_wait3A = arith.constant 0 : i32
    %dma_wait3A_18 = arith.constant 0 : i32
    %dma_wait3A_19 = tpu.memref_slice %arg2[%dma_wait3A, %dma_wait3A_18] : memref<10000x128xf32, #tpu.memory_space<hbm>> -> memref<10000x128xf32, #tpu.memory_space<hbm>>
    tpu.wait_indirect_dma semaphore(%arg13 : memref<!tpu.dma_semaphore, #tpu.memory_space<semaphore_mem>>) src(%dma_wait3A_19 : memref<10000x128xf32, #tpu.memory_space<hbm>>) dst(%arg19 : memref<16x128xf32, #tpu.memory_space<vmem>>)
    "tpu.region"() ({
      %run_scoped3A = tpu.sem_alloc : memref<!tpu.dma_semaphore, #tpu.memory_space<semaphore_mem>>
      %dma_start3A_31 = arith.constant 0 : i32
      %dma_start3A_32 = arith.constant 0 : i32
      %dma_start3A_33 = tpu.memref_slice %arg6[%dma_start3A_31, %dma_start3A_32] : memref<10000x128xf32, #tpu.memory_space<vmem_shared>> -> memref<10000x128xf32, #tpu.memory_space<vmem_shared>>
      tpu.enqueue_indirect_dma source(%arg19 : memref<16x128xf32, #tpu.memory_space<vmem>>) target(%dma_start3A_33 : memref<10000x128xf32, #tpu.memory_space<vmem_shared>>) offsets(%arg18 : memref<16xi32, #tpu.memory_space<vmem>>) semaphore(%run_scoped3A : memref<!tpu.dma_semaphore, #tpu.memory_space<semaphore_mem>>) {add = true}
      %dma_wait3A_34 = arith.constant 0 : i32
      %dma_wait3A_35 = arith.constant 0 : i32
      %dma_wait3A_36 = tpu.memref_slice %arg6[%dma_wait3A_34, %dma_wait3A_35] : memref<10000x128xf32, #tpu.memory_space<vmem_shared>> -> memref<10000x128xf32, #tpu.memory_space<vmem_shared>>
      tpu.wait_indirect_dma semaphore(%run_scoped3A : memref<!tpu.dma_semaphore, #tpu.memory_space<semaphore_mem>>) src(%arg19 : memref<16x128xf32, #tpu.memory_space<vmem>>) dst(%dma_wait3A_36 : memref<10000x128xf32, #tpu.memory_space<vmem_shared>>)
      tpu.yield
    }) : () -> ()
    %barrier3A_20 = arith.constant 0 : index
    tpu.barrier barrier_id(%barrier3A_20)
    %lt3A_21 = arith.constant 15 : i32
    %lt3A_22 = arith.cmpi slt, %arg1, %lt3A_21 : i32
    %convert_element_type3A_23 = arith.extui %lt3A_22 : i1 to i32
    %cond3A_24 = arith.constant 0 : i32
    %cond3A_25 = arith.cmpi ne, %convert_element_type3A_23, %cond3A_24 : i32
    scf.if %cond3A_25 {
      %mul3A_31 = arith.constant 632 : i32
      %mul3A_32 = arith.muli %arg1, %mul3A_31 : i32
      %multiple_of3A_33 = tpu.assume_multiple %mul3A_32, 8 : i32
      "tpu.region"() ({
        %run_scoped3A = tpu.sem_alloc : memref<!tpu.dma_semaphore, #tpu.memory_space<semaphore_mem>>
        %dma_start3A_34 = arith.constant 0 : i32
        %dma_start3A_35 = tpu.memref_slice %arg5[%arg0, %multiple_of3A_33, %dma_start3A_34] : memref<2x10000x128xf32, #tpu.memory_space<hbm>> -> memref<1x632x128xf32, #tpu.memory_space<hbm>>
        %dma_start3A_36 = tpu.memref_squeeze %dma_start3A_35 : memref<1x632x128xf32, #tpu.memory_space<hbm>> -> memref<632x128xf32, #tpu.memory_space<hbm>>
        %dma_start3A_37 = arith.constant 0 : i32
        %dma_start3A_38 = tpu.memref_slice %arg6[%multiple_of3A_33, %dma_start3A_37] : memref<10000x128xf32, #tpu.memory_space<vmem_shared>> -> memref<632x128xf32, #tpu.memory_space<vmem_shared>>
        tpu.enqueue_dma source(%dma_start3A_38 : memref<632x128xf32, #tpu.memory_space<vmem_shared>>) target(%dma_start3A_36 : memref<632x128xf32, #tpu.memory_space<hbm>>) target_semaphore(%run_scoped3A : memref<!tpu.dma_semaphore, #tpu.memory_space<semaphore_mem>>)
        %dma_wait3A_39 = arith.constant 0 : i32
        %dma_wait3A_40 = tpu.memref_slice %arg5[%arg0, %multiple_of3A_33, %dma_wait3A_39] : memref<2x10000x128xf32, #tpu.memory_space<hbm>> -> memref<1x632x128xf32, #tpu.memory_space<hbm>>
        %dma_wait3A_41 = tpu.memref_squeeze %dma_wait3A_40 : memref<1x632x128xf32, #tpu.memory_space<hbm>> -> memref<632x128xf32, #tpu.memory_space<hbm>>
        %dma_wait3A_42 = arith.constant 0 : i32
        %dma_wait3A_43 = tpu.memref_slice %arg6[%multiple_of3A_33, %dma_wait3A_42] : memref<10000x128xf32, #tpu.memory_space<vmem_shared>> -> memref<632x128xf32, #tpu.memory_space<vmem_shared>>
        tpu.wait_dma2 semaphore(%run_scoped3A : memref<!tpu.dma_semaphore, #tpu.memory_space<semaphore_mem>>) src(%dma_wait3A_43 : memref<632x128xf32, #tpu.memory_space<vmem_shared>>) dst(%dma_wait3A_41 : memref<632x128xf32, #tpu.memory_space<hbm>>)
        tpu.yield
      }) : () -> ()
    } else {
    }
    %eq3A_26 = arith.constant 15 : i32
    %eq3A_27 = arith.cmpi eq, %arg1, %eq3A_26 : i32
    %convert_element_type3A_28 = arith.extui %eq3A_27 : i1 to i32
    %cond3A_29 = arith.constant 0 : i32
    %cond3A_30 = arith.cmpi ne, %convert_element_type3A_28, %cond3A_29 : i32
    scf.if %cond3A_30 {
      "tpu.region"() ({
        %run_scoped3A = tpu.sem_alloc : memref<!tpu.dma_semaphore, #tpu.memory_space<semaphore_mem>>
        %dma_start3A_31 = arith.constant 9480 : i32
        %dma_start3A_32 = arith.constant 0 : i32
        %dma_start3A_33 = tpu.memref_slice %arg5[%arg0, %dma_start3A_31, %dma_start3A_32] : memref<2x10000x128xf32, #tpu.memory_space<hbm>> -> memref<1x520x128xf32, #tpu.memory_space<hbm>>
        %dma_start3A_34 = tpu.memref_squeeze %dma_start3A_33 : memref<1x520x128xf32, #tpu.memory_space<hbm>> -> memref<520x128xf32, #tpu.memory_space<hbm>>
        %dma_start3A_35 = arith.constant 9480 : i32
        %dma_start3A_36 = arith.constant 0 : i32
        %dma_start3A_37 = tpu.memref_slice %arg6[%dma_start3A_35, %dma_start3A_36] : memref<10000x128xf32, #tpu.memory_space<vmem_shared>> -> memref<520x128xf32, #tpu.memory_space<vmem_shared>>
        tpu.enqueue_dma source(%dma_start3A_37 : memref<520x128xf32, #tpu.memory_space<vmem_shared>>) target(%dma_start3A_34 : memref<520x128xf32, #tpu.memory_space<hbm>>) target_semaphore(%run_scoped3A : memref<!tpu.dma_semaphore, #tpu.memory_space<semaphore_mem>>)
        %dma_wait3A_38 = arith.constant 9480 : i32
        %dma_wait3A_39 = arith.constant 0 : i32
        %dma_wait3A_40 = tpu.memref_slice %arg5[%arg0, %dma_wait3A_38, %dma_wait3A_39] : memref<2x10000x128xf32, #tpu.memory_space<hbm>> -> memref<1x520x128xf32, #tpu.memory_space<hbm>>
        %dma_wait3A_41 = tpu.memref_squeeze %dma_wait3A_40 : memref<1x520x128xf32, #tpu.memory_space<hbm>> -> memref<520x128xf32, #tpu.memory_space<hbm>>
        %dma_wait3A_42 = arith.constant 9480 : i32
        %dma_wait3A_43 = arith.constant 0 : i32
        %dma_wait3A_44 = tpu.memref_slice %arg6[%dma_wait3A_42, %dma_wait3A_43] : memref<10000x128xf32, #tpu.memory_space<vmem_shared>> -> memref<520x128xf32, #tpu.memory_space<vmem_shared>>
        tpu.wait_dma2 semaphore(%run_scoped3A : memref<!tpu.dma_semaphore, #tpu.memory_space<semaphore_mem>>) src(%dma_wait3A_44 : memref<520x128xf32, #tpu.memory_space<vmem_shared>>) dst(%dma_wait3A_41 : memref<520x128xf32, #tpu.memory_space<hbm>>)
        tpu.yield
      }) : () -> ()
    } else {
    }
    return
  }
}

module attributes {stable_mosaic.version = 14 : i64} {
  func.func @_gin_dense(%arg0: memref<10000x128xf32, #tpu.memory_space<vmem>>, %arg1: memref<10000x128xf32, #tpu.memory_space<vmem>>, %arg2: memref<10000x128xf32, #tpu.memory_space<vmem>>, %arg3: memref<128x128xf32, #tpu.memory_space<vmem>>, %arg4: memref<128xf32, #tpu.memory_space<vmem>>, %arg5: memref<128xf32, #tpu.memory_space<vmem>>, %arg6: memref<128xf32, #tpu.memory_space<vmem>>, %arg7: memref<128x128xf32, #tpu.memory_space<vmem>>, %arg8: memref<128xf32, #tpu.memory_space<vmem>>, %arg9: memref<128xf32, #tpu.memory_space<vmem>>, %arg10: memref<128xf32, #tpu.memory_space<vmem>>, %arg11: memref<10000x128xf32, #tpu.memory_space<vmem>>) attributes {dimension_semantics = [], scalar_prefetch = 0 : i64, scratch_operands = 0 : i64, tpu.core_type = #tpu.core_type<tc>} {
    %get3A = arith.constant 0 : index
    %get3A_0 = arith.constant 0 : index
    %get3A_1 = vector.load %arg0[%get3A, %get3A_0] : memref<10000x128xf32, #tpu.memory_space<vmem>>, vector<10000x128xf32>
    %get3A_2 = arith.constant 0 : index
    %get3A_3 = arith.constant 0 : index
    %get3A_4 = vector.load %arg1[%get3A_2, %get3A_3] : memref<10000x128xf32, #tpu.memory_space<vmem>>, vector<10000x128xf32>
    %add3A = arith.addf %get3A_1, %get3A_4 : vector<10000x128xf32>
    %get3A_5 = arith.constant 0 : index
    %get3A_6 = arith.constant 0 : index
    %get3A_7 = vector.load %arg2[%get3A_5, %get3A_6] : memref<10000x128xf32, #tpu.memory_space<vmem>>, vector<10000x128xf32>
    %sub3A = arith.subf %add3A, %get3A_7 : vector<10000x128xf32>
    %get3A_8 = arith.constant 0 : index
    %get3A_9 = arith.constant 0 : index
    %get3A_10 = vector.load %arg3[%get3A_8, %get3A_9] : memref<128x128xf32, #tpu.memory_space<vmem>>, vector<128x128xf32>
    %dot_general3A = arith.constant dense<0.000000e+00> : vector<10000x128xf32>
    %dot_general3A_11 = tpu.matmul %sub3A, %get3A_10, %dot_general3A {dimension_numbers = #tpu.dot_dimension_numbers<[1], [0], [0], [1], [0, 0, 1, 1], [], []>, transpose_lhs_hint = false} : vector<10000x128xf32>, vector<128x128xf32>, vector<10000x128xf32> -> vector<10000x128xf32>
    %get3A_12 = arith.constant 0 : index
    %get3A_13 = vector.load %arg4[%get3A_12] : memref<128xf32, #tpu.memory_space<vmem>>, vector<128xf32>
    %broadcast_in_dim3A = vector.shape_cast %get3A_13 : vector<128xf32> to vector<1x128xf32>
    %add3A_14 = vector.broadcast %broadcast_in_dim3A : vector<1x128xf32> to vector<10000x128xf32>
    %add3A_15 = arith.addf %dot_general3A_11, %add3A_14 : vector<10000x128xf32>
    %get3A_16 = arith.constant 0 : index
    %get3A_17 = vector.load %arg5[%get3A_16] : memref<128xf32, #tpu.memory_space<vmem>>, vector<128xf32>
    %get3A_18 = arith.constant 0 : index
    %get3A_19 = vector.load %arg6[%get3A_18] : memref<128xf32, #tpu.memory_space<vmem>>, vector<128xf32>
    %reduce_sum3A = arith.constant dense<0.000000e+00> : vector<128xf32>
    %reduce_sum3A_20 = vector.multi_reduction <add>, %add3A_15, %reduce_sum3A [0] : vector<10000x128xf32> to vector<128xf32>
    %broadcast_in_dim3A_21 = vector.shape_cast %reduce_sum3A_20 : vector<128xf32> to vector<1x128xf32>
    %div3A = arith.constant 1.000000e+04 : f32
    %div3A_22 = vector.broadcast %div3A : f32 to vector<1x128xf32>
    %div3A_23 = arith.divf %broadcast_in_dim3A_21, %div3A_22 : vector<1x128xf32>
    %jit3A = arith.constant 0 : i32
    %reduce_sum3A_24 = arith.constant dense<0.000000e+00> : vector<128xf32>
    %reduce_sum3A_25 = vector.multi_reduction <add>, %add3A_15, %reduce_sum3A_24 [0] : vector<10000x128xf32> to vector<128xf32>
    %broadcast_in_dim3A_26 = vector.shape_cast %reduce_sum3A_25 : vector<128xf32> to vector<1x128xf32>
    %div3A_27 = arith.constant 1.000000e+04 : f32
    %div3A_28 = vector.broadcast %div3A_27 : f32 to vector<1x128xf32>
    %div3A_29 = arith.divf %broadcast_in_dim3A_26, %div3A_28 : vector<1x128xf32>
    %sub3A_30 = vector.broadcast %div3A_29 : vector<1x128xf32> to vector<10000x128xf32>
    %sub3A_31 = arith.subf %add3A_15, %sub3A_30 : vector<10000x128xf32>
    %square3A = arith.mulf %sub3A_31, %sub3A_31 : vector<10000x128xf32>
    %convert_element_type3A = arith.sitofp %jit3A : i32 to f32
    %sub3A_32 = arith.constant 1.000000e+04 : f32
    %sub3A_33 = arith.subf %sub3A_32, %convert_element_type3A : f32
    %reduce_sum3A_34 = arith.constant dense<0.000000e+00> : vector<128xf32>
    %reduce_sum3A_35 = vector.multi_reduction <add>, %square3A, %reduce_sum3A_34 [0] : vector<10000x128xf32> to vector<128xf32>
    %broadcast_in_dim3A_36 = vector.shape_cast %reduce_sum3A_35 : vector<128xf32> to vector<1x128xf32>
    %div3A_37 = vector.broadcast %sub3A_33 : f32 to vector<1x128xf32>
    %div3A_38 = arith.divf %broadcast_in_dim3A_36, %div3A_37 : vector<1x128xf32>
    %gt3A = arith.constant 0.000000e+00 : f32
    %gt3A_39 = arith.cmpf ogt, %sub3A_33, %gt3A : f32
    %jit3A_40 = arith.constant 0x7FC00000 : f32
    %broadcast_in_dim3A_41 = vector.broadcast %jit3A_40 : f32 to vector<1x128xf32>
    %select_n3A = arith.select %gt3A_39, %div3A_38, %broadcast_in_dim3A_41 : vector<1x128xf32>
    %sub3A_42 = vector.broadcast %div3A_23 : vector<1x128xf32> to vector<10000x128xf32>
    %sub3A_43 = arith.subf %add3A_15, %sub3A_42 : vector<10000x128xf32>
    %broadcast_in_dim3A_44 = vector.shape_cast %get3A_17 : vector<128xf32> to vector<1x128xf32>
    %mul3A = vector.broadcast %broadcast_in_dim3A_44 : vector<1x128xf32> to vector<10000x128xf32>
    %mul3A_45 = arith.mulf %mul3A, %sub3A_43 : vector<10000x128xf32>
    %add3A_46 = arith.constant 9.99999974E-6 : f32
    %add3A_47 = vector.broadcast %add3A_46 : f32 to vector<1x128xf32>
    %add3A_48 = arith.addf %select_n3A, %add3A_47 : vector<1x128xf32>
    %sqrt3A = math.sqrt %add3A_48 : vector<1x128xf32>
    %div3A_49 = vector.broadcast %sqrt3A : vector<1x128xf32> to vector<10000x128xf32>
    %div3A_50 = arith.divf %mul3A_45, %div3A_49 : vector<10000x128xf32>
    %broadcast_in_dim3A_51 = vector.shape_cast %get3A_19 : vector<128xf32> to vector<1x128xf32>
    %add3A_52 = vector.broadcast %broadcast_in_dim3A_51 : vector<1x128xf32> to vector<10000x128xf32>
    %add3A_53 = arith.addf %div3A_50, %add3A_52 : vector<10000x128xf32>
    %max3A = arith.constant 0.000000e+00 : f32
    %max3A_54 = vector.broadcast %max3A : f32 to vector<10000x128xf32>
    %max3A_55 = arith.maximumf %add3A_53, %max3A_54 : vector<10000x128xf32>
    %get3A_56 = arith.constant 0 : index
    %get3A_57 = arith.constant 0 : index
    %get3A_58 = vector.load %arg7[%get3A_56, %get3A_57] : memref<128x128xf32, #tpu.memory_space<vmem>>, vector<128x128xf32>
    %dot_general3A_59 = arith.constant dense<0.000000e+00> : vector<10000x128xf32>
    %dot_general3A_60 = tpu.matmul %max3A_55, %get3A_58, %dot_general3A_59 {dimension_numbers = #tpu.dot_dimension_numbers<[1], [0], [0], [1], [0, 0, 1, 1], [], []>, transpose_lhs_hint = false} : vector<10000x128xf32>, vector<128x128xf32>, vector<10000x128xf32> -> vector<10000x128xf32>
    %get3A_61 = arith.constant 0 : index
    %get3A_62 = vector.load %arg8[%get3A_61] : memref<128xf32, #tpu.memory_space<vmem>>, vector<128xf32>
    %broadcast_in_dim3A_63 = vector.shape_cast %get3A_62 : vector<128xf32> to vector<1x128xf32>
    %add3A_64 = vector.broadcast %broadcast_in_dim3A_63 : vector<1x128xf32> to vector<10000x128xf32>
    %add3A_65 = arith.addf %dot_general3A_60, %add3A_64 : vector<10000x128xf32>
    %get3A_66 = arith.constant 0 : index
    %get3A_67 = vector.load %arg9[%get3A_66] : memref<128xf32, #tpu.memory_space<vmem>>, vector<128xf32>
    %get3A_68 = arith.constant 0 : index
    %get3A_69 = vector.load %arg10[%get3A_68] : memref<128xf32, #tpu.memory_space<vmem>>, vector<128xf32>
    %reduce_sum3A_70 = arith.constant dense<0.000000e+00> : vector<128xf32>
    %reduce_sum3A_71 = vector.multi_reduction <add>, %add3A_65, %reduce_sum3A_70 [0] : vector<10000x128xf32> to vector<128xf32>
    %broadcast_in_dim3A_72 = vector.shape_cast %reduce_sum3A_71 : vector<128xf32> to vector<1x128xf32>
    %div3A_73 = arith.constant 1.000000e+04 : f32
    %div3A_74 = vector.broadcast %div3A_73 : f32 to vector<1x128xf32>
    %div3A_75 = arith.divf %broadcast_in_dim3A_72, %div3A_74 : vector<1x128xf32>
    %jit3A_76 = arith.constant 0 : i32
    %reduce_sum3A_77 = arith.constant dense<0.000000e+00> : vector<128xf32>
    %reduce_sum3A_78 = vector.multi_reduction <add>, %add3A_65, %reduce_sum3A_77 [0] : vector<10000x128xf32> to vector<128xf32>
    %broadcast_in_dim3A_79 = vector.shape_cast %reduce_sum3A_78 : vector<128xf32> to vector<1x128xf32>
    %div3A_80 = arith.constant 1.000000e+04 : f32
    %div3A_81 = vector.broadcast %div3A_80 : f32 to vector<1x128xf32>
    %div3A_82 = arith.divf %broadcast_in_dim3A_79, %div3A_81 : vector<1x128xf32>
    %sub3A_83 = vector.broadcast %div3A_82 : vector<1x128xf32> to vector<10000x128xf32>
    %sub3A_84 = arith.subf %add3A_65, %sub3A_83 : vector<10000x128xf32>
    %square3A_85 = arith.mulf %sub3A_84, %sub3A_84 : vector<10000x128xf32>
    %convert_element_type3A_86 = arith.sitofp %jit3A_76 : i32 to f32
    %sub3A_87 = arith.constant 1.000000e+04 : f32
    %sub3A_88 = arith.subf %sub3A_87, %convert_element_type3A_86 : f32
    %reduce_sum3A_89 = arith.constant dense<0.000000e+00> : vector<128xf32>
    %reduce_sum3A_90 = vector.multi_reduction <add>, %square3A_85, %reduce_sum3A_89 [0] : vector<10000x128xf32> to vector<128xf32>
    %broadcast_in_dim3A_91 = vector.shape_cast %reduce_sum3A_90 : vector<128xf32> to vector<1x128xf32>
    %div3A_92 = vector.broadcast %sub3A_88 : f32 to vector<1x128xf32>
    %div3A_93 = arith.divf %broadcast_in_dim3A_91, %div3A_92 : vector<1x128xf32>
    %gt3A_94 = arith.constant 0.000000e+00 : f32
    %gt3A_95 = arith.cmpf ogt, %sub3A_88, %gt3A_94 : f32
    %jit3A_96 = arith.constant 0x7FC00000 : f32
    %broadcast_in_dim3A_97 = vector.broadcast %jit3A_96 : f32 to vector<1x128xf32>
    %select_n3A_98 = arith.select %gt3A_95, %div3A_93, %broadcast_in_dim3A_97 : vector<1x128xf32>
    %sub3A_99 = vector.broadcast %div3A_75 : vector<1x128xf32> to vector<10000x128xf32>
    %sub3A_100 = arith.subf %add3A_65, %sub3A_99 : vector<10000x128xf32>
    %broadcast_in_dim3A_101 = vector.shape_cast %get3A_67 : vector<128xf32> to vector<1x128xf32>
    %mul3A_102 = vector.broadcast %broadcast_in_dim3A_101 : vector<1x128xf32> to vector<10000x128xf32>
    %mul3A_103 = arith.mulf %mul3A_102, %sub3A_100 : vector<10000x128xf32>
    %add3A_104 = arith.constant 9.99999974E-6 : f32
    %add3A_105 = vector.broadcast %add3A_104 : f32 to vector<1x128xf32>
    %add3A_106 = arith.addf %select_n3A_98, %add3A_105 : vector<1x128xf32>
    %sqrt3A_107 = math.sqrt %add3A_106 : vector<1x128xf32>
    %div3A_108 = vector.broadcast %sqrt3A_107 : vector<1x128xf32> to vector<10000x128xf32>
    %div3A_109 = arith.divf %mul3A_103, %div3A_108 : vector<10000x128xf32>
    %broadcast_in_dim3A_110 = vector.shape_cast %get3A_69 : vector<128xf32> to vector<1x128xf32>
    %add3A_111 = vector.broadcast %broadcast_in_dim3A_110 : vector<1x128xf32> to vector<10000x128xf32>
    %add3A_112 = arith.addf %div3A_109, %add3A_111 : vector<10000x128xf32>
    %max3A_113 = arith.constant 0.000000e+00 : f32
    %max3A_114 = vector.broadcast %max3A_113 : f32 to vector<10000x128xf32>
    %max3A_115 = arith.maximumf %add3A_112, %max3A_114 : vector<10000x128xf32>
    %swap3A = arith.constant 0 : index
    %swap3A_116 = arith.constant 0 : index
    %swap3A_117 = vector.load %arg11[%swap3A, %swap3A_116] : memref<10000x128xf32, #tpu.memory_space<vmem>>, vector<10000x128xf32>
    tpu.vector_store %arg11[%swap3A, %swap3A_116], %max3A_115 {strides = array<i32>} : memref<10000x128xf32, #tpu.memory_space<vmem>>, vector<10000x128xf32>,
    return
  }
}

module attributes {stable_mosaic.version = 14 : i64} {
  func.func @_heads(%arg0: memref<10000x128xf32, #tpu.memory_space<vmem>>, %arg1: memref<100x50xi32, #tpu.memory_space<vmem>>, %arg2: memref<100x50xi32, #tpu.memory_space<vmem>>, %arg3: memref<256x256xf32, #tpu.memory_space<vmem>>, %arg4: memref<256xf32, #tpu.memory_space<vmem>>, %arg5: memref<256x256xf32, #tpu.memory_space<vmem>>, %arg6: memref<256xf32, #tpu.memory_space<vmem>>, %arg7: memref<256x1xf32, #tpu.memory_space<vmem>>, %arg8: memref<1xf32, #tpu.memory_space<vmem>>, %arg9: memref<128x256xf32, #tpu.memory_space<vmem>>, %arg10: memref<256xf32, #tpu.memory_space<vmem>>, %arg11: memref<256x256xf32, #tpu.memory_space<vmem>>, %arg12: memref<256xf32, #tpu.memory_space<vmem>>, %arg13: memref<256x1xf32, #tpu.memory_space<vmem>>, %arg14: memref<1xf32, #tpu.memory_space<vmem>>, %arg15: memref<100x50xf32, #tpu.memory_space<vmem>>, %arg16: memref<100xf32, #tpu.memory_space<vmem>>) attributes {dimension_semantics = [], scalar_prefetch = 0 : i64, scratch_operands = 0 : i64, tpu.core_type = #tpu.core_type<tc>} {
    %get3A = arith.constant 0 : index
    %get3A_0 = arith.constant 0 : index
    %get3A_1 = vector.load %arg0[%get3A, %get3A_0] : memref<10000x128xf32, #tpu.memory_space<vmem>>, vector<10000x128xf32>
    %reshape3A = vector.shape_cast %get3A_1 : vector<10000x128xf32> to vector<100x100x128xf32>
    %reduce_sum3A = arith.constant dense<0.000000e+00> : vector<100x128xf32>
    %reduce_sum3A_2 = vector.multi_reduction <add>, %reshape3A, %reduce_sum3A [1] : vector<100x100x128xf32> to vector<100x128xf32>
    %div3A = arith.constant 1.000000e+02 : f32
    %div3A_3 = vector.broadcast %div3A : f32 to vector<100x128xf32>
    %div3A_4 = arith.divf %reduce_sum3A_2, %div3A_3 : vector<100x128xf32>
    %get3A_5 = arith.constant 0 : index
    %get3A_6 = arith.constant 0 : index
    %get3A_7 = vector.load %arg1[%get3A_5, %get3A_6] : memref<100x50xi32, #tpu.memory_space<vmem>>, vector<100x50xi32>
    %iota3A = tpu.iota {dimensions = array<i32: 2>} : vector<100x50x100xi32>
    %broadcast_in_dim3A = vector.shape_cast %get3A_7 : vector<100x50xi32> to vector<100x50x1xi32>
    %eq3A = vector.broadcast %broadcast_in_dim3A : vector<100x50x1xi32> to vector<100x50x100xi32>
    %eq3A_8 = arith.cmpi eq, %eq3A, %iota3A : vector<100x50x100xi32>
    %convert_element_type3A = arith.extui %eq3A_8 : vector<100x50x100xi1> to vector<100x50x100xi32>
    %convert_element_type3A_9 = arith.sitofp %convert_element_type3A : vector<100x50x100xi32> to vector<100x50x100xf32>
    %dot_general3A = arith.constant dense<0.000000e+00> : vector<100x50x128xf32>
    %dot_general3A_10 = tpu.matmul %convert_element_type3A_9, %reshape3A, %dot_general3A {dimension_numbers = #tpu.dot_dimension_numbers<[2], [1], [1], [2], [0, 0, 0, 1, 1, 2], [0], [0]>, transpose_lhs_hint = false} : vector<100x50x100xf32>, vector<100x100x128xf32>, vector<100x50x128xf32> -> vector<100x50x128xf32>
    %broadcast_in_dim3A_11 = vector.shape_cast %div3A_4 : vector<100x128xf32> to vector<100x1x128xf32>
    %broadcast_in_dim3A_12 = vector.shape_cast %broadcast_in_dim3A_11 : vector<100x1x128xf32> to vector<100x1x128xf32>
    %broadcast_in_dim3A_13 = vector.broadcast %broadcast_in_dim3A_12 : vector<100x1x128xf32> to vector<100x50x128xf32>
    %concatenate3A = tpu.concatenate %dot_general3A_10, %broadcast_in_dim3A_13 in 2 : vector<100x50x128xf32>, vector<100x50x128xf32> -> vector<100x50x256xf32>
    %reshape3A_14 = vector.shape_cast %concatenate3A : vector<100x50x256xf32> to vector<5000x256xf32>
    %get3A_15 = arith.constant 0 : index
    %get3A_16 = arith.constant 0 : index
    %get3A_17 = vector.load %arg3[%get3A_15, %get3A_16] : memref<256x256xf32, #tpu.memory_space<vmem>>, vector<256x256xf32>
    %dot_general3A_18 = arith.constant dense<0.000000e+00> : vector<5000x256xf32>
    %dot_general3A_19 = tpu.matmul %reshape3A_14, %get3A_17, %dot_general3A_18 {dimension_numbers = #tpu.dot_dimension_numbers<[1], [0], [0], [1], [0, 0, 1, 1], [], []>, transpose_lhs_hint = false} : vector<5000x256xf32>, vector<256x256xf32>, vector<5000x256xf32> -> vector<5000x256xf32>
    %get3A_20 = arith.constant 0 : index
    %get3A_21 = vector.load %arg4[%get3A_20] : memref<256xf32, #tpu.memory_space<vmem>>, vector<256xf32>
    %broadcast_in_dim3A_22 = vector.shape_cast %get3A_21 : vector<256xf32> to vector<1x256xf32>
    %add3A = vector.broadcast %broadcast_in_dim3A_22 : vector<1x256xf32> to vector<5000x256xf32>
    %add3A_23 = arith.addf %dot_general3A_19, %add3A : vector<5000x256xf32>
    %tanh3A = math.tanh %add3A_23 : vector<5000x256xf32>
    %get3A_24 = arith.constant 0 : index
    %get3A_25 = arith.constant 0 : index
    %get3A_26 = vector.load %arg5[%get3A_24, %get3A_25] : memref<256x256xf32, #tpu.memory_space<vmem>>, vector<256x256xf32>
    %dot_general3A_27 = arith.constant dense<0.000000e+00> : vector<5000x256xf32>
    %dot_general3A_28 = tpu.matmul %tanh3A, %get3A_26, %dot_general3A_27 {dimension_numbers = #tpu.dot_dimension_numbers<[1], [0], [0], [1], [0, 0, 1, 1], [], []>, transpose_lhs_hint = false} : vector<5000x256xf32>, vector<256x256xf32>, vector<5000x256xf32> -> vector<5000x256xf32>
    %get3A_29 = arith.constant 0 : index
    %get3A_30 = vector.load %arg6[%get3A_29] : memref<256xf32, #tpu.memory_space<vmem>>, vector<256xf32>
    %broadcast_in_dim3A_31 = vector.shape_cast %get3A_30 : vector<256xf32> to vector<1x256xf32>
    %add3A_32 = vector.broadcast %broadcast_in_dim3A_31 : vector<1x256xf32> to vector<5000x256xf32>
    %add3A_33 = arith.addf %dot_general3A_28, %add3A_32 : vector<5000x256xf32>
    %tanh3A_34 = math.tanh %add3A_33 : vector<5000x256xf32>
    %get3A_35 = arith.constant 0 : index
    %get3A_36 = arith.constant 0 : index
    %get3A_37 = vector.load %arg7[%get3A_35, %get3A_36] : memref<256x1xf32, #tpu.memory_space<vmem>>, vector<256x1xf32>
    %dot_general3A_38 = arith.constant dense<0.000000e+00> : vector<5000x1xf32>
    %dot_general3A_39 = tpu.matmul %tanh3A_34, %get3A_37, %dot_general3A_38 {dimension_numbers = #tpu.dot_dimension_numbers<[1], [0], [0], [1], [0, 0, 1, 1], [], []>, transpose_lhs_hint = false} : vector<5000x256xf32>, vector<256x1xf32>, vector<5000x1xf32> -> vector<5000x1xf32>
    %get3A_40 = arith.constant 0 : index
    %get3A_41 = vector.load %arg8[%get3A_40] : memref<1xf32, #tpu.memory_space<vmem>>, vector<1xf32>
    %broadcast_in_dim3A_42 = vector.shape_cast %get3A_41 : vector<1xf32> to vector<1x1xf32>
    %add3A_43 = vector.broadcast %broadcast_in_dim3A_42 : vector<1x1xf32> to vector<5000x1xf32>
    %add3A_44 = arith.addf %dot_general3A_39, %add3A_43 : vector<5000x1xf32>
    %reshape3A_45 = vector.shape_cast %add3A_44 : vector<5000x1xf32> to vector<100x50xf32>
    %get3A_46 = arith.constant 0 : index
    %get3A_47 = arith.constant 0 : index
    %get3A_48 = vector.load %arg2[%get3A_46, %get3A_47] : memref<100x50xi32, #tpu.memory_space<vmem>>, vector<100x50xi32>
    %gt3A = arith.constant 0 : i32
    %gt3A_49 = vector.broadcast %gt3A : i32 to vector<100x50xi32>
    %gt3A_50 = arith.cmpi sgt, %get3A_48, %gt3A_49 : vector<100x50xi32>
    %jit3A = arith.constant 0xFF800000 : f32
    %broadcast_in_dim3A_51 = vector.broadcast %jit3A : f32 to vector<100x50xf32>
    %select_n3A = arith.select %gt3A_50, %broadcast_in_dim3A_51, %reshape3A_45 : vector<100x50xi1>, vector<100x50xf32>
    %reduce_max3A = arith.constant dense<0xFF800000> : vector<100xf32>
    %reduce_max3A_52 = vector.multi_reduction <maximumf>, %select_n3A, %reduce_max3A [1] : vector<100x50xf32> to vector<100xf32>
    %broadcast_in_dim3A_53 = vector.shape_cast %reduce_max3A_52 : vector<100xf32> to vector<100x1xf32>
    %sub3A = vector.broadcast %broadcast_in_dim3A_53 : vector<100x1xf32> to vector<100x50xf32>
    %sub3A_54 = arith.subf %select_n3A, %sub3A : vector<100x50xf32>
    %exp3A = math.exp %sub3A_54 : vector<100x50xf32>
    %reduce_sum3A_55 = arith.constant dense<0.000000e+00> : vector<100xf32>
    %reduce_sum3A_56 = vector.multi_reduction <add>, %exp3A, %reduce_sum3A_55 [1] : vector<100x50xf32> to vector<100xf32>
    %broadcast_in_dim3A_57 = vector.shape_cast %reduce_sum3A_56 : vector<100xf32> to vector<100x1xf32>
    %div3A_58 = vector.broadcast %broadcast_in_dim3A_57 : vector<100x1xf32> to vector<100x50xf32>
    %div3A_59 = arith.divf %exp3A, %div3A_58 : vector<100x50xf32>
    %swap3A = arith.constant 0 : index
    %swap3A_60 = arith.constant 0 : index
    %swap3A_61 = vector.load %arg15[%swap3A, %swap3A_60] : memref<100x50xf32, #tpu.memory_space<vmem>>, vector<100x50xf32>
    tpu.vector_store %arg15[%swap3A, %swap3A_60], %div3A_59 {strides = array<i32>} : memref<100x50xf32, #tpu.memory_space<vmem>>, vector<100x50xf32>,
    %get3A_62 = arith.constant 0 : index
    %get3A_63 = arith.constant 0 : index
    %get3A_64 = vector.load %arg9[%get3A_62, %get3A_63] : memref<128x256xf32, #tpu.memory_space<vmem>>, vector<128x256xf32>
    %dot_general3A_65 = arith.constant dense<0.000000e+00> : vector<100x256xf32>
    %dot_general3A_66 = tpu.matmul %div3A_4, %get3A_64, %dot_general3A_65 {dimension_numbers = #tpu.dot_dimension_numbers<[1], [0], [0], [1], [0, 0, 1, 1], [], []>, transpose_lhs_hint = false} : vector<100x128xf32>, vector<128x256xf32>, vector<100x256xf32> -> vector<100x256xf32>
    %get3A_67 = arith.constant 0 : index
    %get3A_68 = vector.load %arg10[%get3A_67] : memref<256xf32, #tpu.memory_space<vmem>>, vector<256xf32>
    %broadcast_in_dim3A_69 = vector.shape_cast %get3A_68 : vector<256xf32> to vector<1x256xf32>
    %add3A_70 = vector.broadcast %broadcast_in_dim3A_69 : vector<1x256xf32> to vector<100x256xf32>
    %add3A_71 = arith.addf %dot_general3A_66, %add3A_70 : vector<100x256xf32>
    %tanh3A_72 = math.tanh %add3A_71 : vector<100x256xf32>
    %get3A_73 = arith.constant 0 : index
    %get3A_74 = arith.constant 0 : index
    %get3A_75 = vector.load %arg11[%get3A_73, %get3A_74] : memref<256x256xf32, #tpu.memory_space<vmem>>, vector<256x256xf32>
    %dot_general3A_76 = arith.constant dense<0.000000e+00> : vector<100x256xf32>
    %dot_general3A_77 = tpu.matmul %tanh3A_72, %get3A_75, %dot_general3A_76 {dimension_numbers = #tpu.dot_dimension_numbers<[1], [0], [0], [1], [0, 0, 1, 1], [], []>, transpose_lhs_hint = false} : vector<100x256xf32>, vector<256x256xf32>, vector<100x256xf32> -> vector<100x256xf32>
    %get3A_78 = arith.constant 0 : index
    %get3A_79 = vector.load %arg12[%get3A_78] : memref<256xf32, #tpu.memory_space<vmem>>, vector<256xf32>
    %broadcast_in_dim3A_80 = vector.shape_cast %get3A_79 : vector<256xf32> to vector<1x256xf32>
    %add3A_81 = vector.broadcast %broadcast_in_dim3A_80 : vector<1x256xf32> to vector<100x256xf32>
    %add3A_82 = arith.addf %dot_general3A_77, %add3A_81 : vector<100x256xf32>
    %tanh3A_83 = math.tanh %add3A_82 : vector<100x256xf32>
    %get3A_84 = arith.constant 0 : index
    %get3A_85 = arith.constant 0 : index
    %get3A_86 = vector.load %arg13[%get3A_84, %get3A_85] : memref<256x1xf32, #tpu.memory_space<vmem>>, vector<256x1xf32>
    %dot_general3A_87 = arith.constant dense<0.000000e+00> : vector<100x1xf32>
    %dot_general3A_88 = tpu.matmul %tanh3A_83, %get3A_86, %dot_general3A_87 {dimension_numbers = #tpu.dot_dimension_numbers<[1], [0], [0], [1], [0, 0, 1, 1], [], []>, transpose_lhs_hint = false} : vector<100x256xf32>, vector<256x1xf32>, vector<100x1xf32> -> vector<100x1xf32>
    %get3A_89 = arith.constant 0 : index
    %get3A_90 = vector.load %arg14[%get3A_89] : memref<1xf32, #tpu.memory_space<vmem>>, vector<1xf32>
    %broadcast_in_dim3A_91 = vector.shape_cast %get3A_90 : vector<1xf32> to vector<1x1xf32>
    %add3A_92 = vector.broadcast %broadcast_in_dim3A_91 : vector<1x1xf32> to vector<100x1xf32>
    %add3A_93 = arith.addf %dot_general3A_88, %add3A_92 : vector<100x1xf32>
    %reshape3A_94 = vector.shape_cast %add3A_93 : vector<100x1xf32> to vector<100xf32>
    %swap3A_95 = arith.constant 0 : index
    %swap3A_96 = vector.load %arg16[%swap3A_95] : memref<100xf32, #tpu.memory_space<vmem>>, vector<100xf32>
    tpu.vector_store %arg16[%swap3A_95], %reshape3A_94 {strides = array<i32>} : memref<100xf32, #tpu.memory_space<vmem>>, vector<100xf32>,
    return
  }
}

</mosaic_0001>

<sc_bundles>
// kernel: kernel.10.cloned.1.call-start
scs
__scs_entry_jumppad:
0x0: {  	(pc) =	sbr.rel $0x88, $3  }
0x1: {  	(tag) =	ssettag $0x0;
	lr =	simm.s32 $0x1  }
0x2: {  	[smem:$0x3F81] =	sst lr;
	_ =	strace $0xD0000000  }
0x3: {  	_ = 	snop  }
0x4: {  	_ = 	snop  }
0x5: {  	_ = 	snop  }
0x6: {  	_ = 	snop  }
0x7: {  	_ = 	snop  }
__scs_overlays_trampoline_lowered:
0x8: {  	[smem:$0x3F90] =	sst s0  }
0x9: {  	[smem:$0x3F91] =	sst s1  }
0xa: {  	[smem:$0x3F92] =	sst s2  }
0xb: {  	[smem:$0x3F93] =	sst s3  }
0xc: {  	[smem:$0x3F94] =	sst s4  }
0xd: {  	[smem:$0x3F95] =	sst s5  }
0xe: {  	[smem:$0x3F96] =	sst s6  }
0xf: {  	[smem:$0x3F97] =	sst s7  }
0x10: {  	[smem:$0x3F98] =	sst s8  }
0x11: {  	[smem:$0x3F99] =	sst s9;
	s0 =	simm.s32 @!p0 $0x0  }
0x12: {  	s1 =	sld [smem:$0x3F7F];
	s0 =	simm.s32 @p0 $0x1  }
0x13: {  	[smem:$0x3F9A] =	sst s0;
	s0 =	simm.s32 @!p1 $0x0  }
0x14: {  	s2 =	sld [smem:$0x3F7E];
	s0 =	simm.s32 @p1 $0x1  }
0x15: {  	[smem:$0x3F9B] =	sst s0;
	s0 =	simm.s32 @!p2 $0x0  }
0x16: {  	s3 =	sld [smem:$0x3FDB];
	s0 =	simm.s32 @p2 $0x1  }
0x17: {  	s4 =	simm.s32 $0x1BF5;
	[smem:$0x3F9D] =	sst s0  }
0x18: {  	s0 =	sld [smem:$0x3F80];
	_ =	swait.ge [sflag:s4], $0x0  }
0x19: {  	s7 =	sld [smem:$0x3F81]  }
0x1a: {  	s8 =	sadd.s32 $0xFFFFE003, lr  }
0x1b: {  	s9 =	sadd.s32 $0xFFFFFEF7, lr;
	s5 =	simm.s32 $0xFFFFFFFF;
	p2 =	slt.u32 s8, $0xFFFFF086  }
0x1c: {  	p1 =	slt.u32 s9, $0xF7A;
	s5 =	simm.s32 @!p2 $0x0  }
0x1d: {  	s5 =	simm.s32 @p1 $0x1;
	p0 =	seq.s32 s7, s2  }
0x1e: {  	s7 =	smul.u32 @!p0 $0xF7A, s2;
	p2 =	seq.s32 @!p0 s5, $0x0  }
0x1f: {  	s9 =	smul.u32 $0xF7A, s1;
	s8 =	simm.s32 @!p0 $0x1BF5;
	p2 =	por !p2, p0  }
0x20: {  	[sflag:s8] =	ssyncset.s32 @!p0 $0xFFFFF086;
	s6 =	sadd.s32 @!p0 s3, s7;
	s7 =	simm.s32 @!p0 $0x108  }
0x21: {  	s3 =	sadd.s32 s3, s9;
	s6 =	sadd.s32 @!p0 $0x88, s6;
	s7 =	simm.s32 @p2 $0x1082  }
0x22: {  	[simem:s7], [sflag:s8] =	dma.local @!p0 [hbm:s6], $0xF7A  }
0x23: {  	s9 =	sor.u32 $0xD0000000, s2;
	s6 =	simm.s32 $0x108;
	_ =	swait.ge @!p0 [sflag:s8], $0x0  }
0x24: {  	s3 =	sadd.s32 $0x88, s3;
	s6 =	simm.s32 @!p1 $0x1082;
	[sflag:s4] =	ssyncset.s32 $0xFFFFF086  }
0x25: {  	[simem:s6], [sflag:s4] =	dma.local [hbm:s3], $0xF7A  }
0x26: {  	[smem:$0x3F81] =	sst s1;
	(tag) =	ssettag s2;
	_ =	strace s9  }
0x27: {  	s1 =	sld [smem:$0x3F91]  }
0x28: {  	s2 =	sld [smem:$0x3F92]  }
0x29: {  	s4 =	sld [smem:$0x3F94]  }
0x2a: {  	p0 =	seq.s32 s5, $0x0;
	s5 =	sld [smem:$0x3F95]  }
0x2b: {  	s6 =	sld [smem:$0x3F96]  }
0x2c: {  	s7 =	sld [smem:$0x3F97]  }
0x2d: {  	s3 =	simm.s32 $0x108;
	s8 =	sld [smem:$0x3F98]  }
0x2e: {  	s3 =	simm.s32 @!p0 $0x1082;
	s9 =	sld [smem:$0x3F99]  }
0x2f: {  	lr =	sadd.s32 s0, s3;
	s0 =	sld [smem:$0x3F90]  }
0x30: {  	s3 =	sld [smem:$0x3F93]  }
0x31: {  	[smem:$0x3F9C] =	sst s10  }
0x32: {  	s10 =	sld [smem:$0x3F9A];
	_ =	sdelay $0x3  }
0x33: {  	p0 =	seq.s32 s10, $0x1;
	s10 =	sld [smem:$0x3F9C];
	_ =	sdelay $0x3  }
0x34: {  	[smem:$0x3F9C] =	sst s10  }
0x35: {  	s10 =	sld [smem:$0x3F9B];
	_ =	sdelay $0x3  }
0x36: {  	p1 =	seq.s32 s10, $0x1;
	s10 =	sld [smem:$0x3F9C];
	_ =	sdelay $0x3  }
0x37: {  	[smem:$0x3F9C] =	sst s10  }
0x38: {  	s10 =	sld [smem:$0x3F9D]  }
0x39: {  	_ = 	snop;
	(pc) =	sbr.ind lr, $3  }
0x3a: {  	_ = 	snop  }
0x3b: {  	_ = 	snop  }
0x3c: {  	p2 =	seq.s32 s10, $0x1;
	s10 =	sld [smem:$0x3F9C]  }
0x3d: {  	_ =	shalt  }
0x3e: {  	_ =	shalt  }
0x3f: {  	_ =	shalt  }
0x40: {  	_ =	shalt  }
0x41: {  	_ =	shalt  }
0x42: {  	_ =	shalt  }
0x43: {  	_ =	shalt  }
0x44: {  	_ =	shalt  }
0x45: {  	_ =	shalt  }
0x46: {  	_ =	shalt  }
0x47: {  	_ =	shalt  }
0x48: {  	_ =	shalt  }
0x49: {  	_ =	shalt  }
0x4a: {  	_ =	shalt  }
0x4b: {  	_ =	shalt  }
0x4c: {  	_ =	shalt  }
0x4d: {  	_ =	shalt  }
0x4e: {  	_ =	shalt  }
0x4f: {  	_ =	shalt  }
0x50: {  	_ =	shalt  }
0x51: {  	_ =	shalt  }
0x52: {  	_ =	shalt  }
0x53: {  	_ =	shalt  }
0x54: {  	_ =	shalt  }
0x55: {  	_ =	shalt  }
0x56: {  	_ =	shalt  }
0x57: {  	_ =	shalt  }
0x58: {  	_ =	shalt  }
0x59: {  	_ =	shalt  }
0x5a: {  	_ =	shalt  }
0x5b: {  	_ =	shalt  }
0x5c: {  	_ =	shalt  }
0x5d: {  	_ =	shalt  }
0x5e: {  	_ =	shalt  }
0x5f: {  	_ =	shalt  }
0x60: {  	_ =	shalt  }
0x61: {  	_ =	shalt  }
0x62: {  	_ =	shalt  }
0x63: {  	_ =	shalt  }
0x64: {  	_ =	shalt  }
0x65: {  	_ =	shalt  }
0x66: {  	_ =	shalt  }
0x67: {  	_ =	shalt  }
0x68: {  	_ =	shalt  }
0x69: {  	_ =	shalt  }
0x6a: {  	_ =	shalt  }
0x6b: {  	_ =	shalt  }
0x6c: {  	_ =	shalt  }
0x6d: {  	_ =	shalt  }
0x6e: {  	_ =	shalt  }
0x6f: {  	_ =	shalt  }
0x70: {  	_ =	shalt  }
0x71: {  	_ =	shalt  }
0x72: {  	_ =	shalt  }
0x73: {  	_ =	shalt  }
0x74: {  	_ =	shalt  }
0x75: {  	_ =	shalt  }
0x76: {  	_ =	shalt  }
0x77: {  	_ =	shalt  }
0x78: {  	_ =	shalt  }
0x79: {  	_ =	shalt  }
0x7a: {  	_ =	shalt  }
0x7b: {  	_ =	shalt  }
0x7c: {  	_ =	shalt  }
0x7d: {  	_ =	shalt  }
0x7e: {  	_ =	shalt  }
0x7f: {  	_ =	shalt  }
0x80: {  	_ =	shalt  }
0x81: {  	_ =	shalt  }
0x82: {  	_ =	shalt  }
0x83: {  	_ =	shalt  }
0x84: {  	_ =	shalt  }
0x85: {  	_ =	shalt  }
0x86: {  	_ =	shalt  }
0x87: {  	_ =	shalt  }
.Lfunc_end0:
.L_simem_size_0:
called_computation.1_lowered:
.L_overlay_start_0:
0x88: {  	s2 =	sld [smem:$0x3FD9]  }
0x89: {  	s3 =	sld [smem:$0x3FFE];
	_ =	sdelay $0x1  }
0x8a: {  	s1 =	srdreg.scid  }
0x8b: {  	s0 =	sand.u32 $0x1, s1  }
0x8c: {  	s16 =	sshll.u32 s0, $0xA;
	s2 =	sadd.s32 s3, s2  }
0x8d: {  	s2 =	sadd.s32 s2, s16  }
0x8e: {  	[smem:$0x3FA8] =	sst s2  }
0x8f: {  	_ = 	snop  }
0x90: {  	(tm) =	ssettm $0x1  }
0x91: {  	s17 =	sld [smem:$0x3FFB];
	_ =	sdelay $0x3  }
0x92: {  	_ =	strace s17  }
0x93: {  	s2 =	sld [smem:$0x3FFC];
	_ =	sdelay $0x3  }
0x94: {  	_ =	strace s2  }
0x95: {  	s2 =	sld [smem:$0x3FFD];
	_ =	sdelay $0x3  }
0x96: {  	_ =	strace s2  }
0x97: {  	_ =	strace $0x8FFFFFFF  }
0x98: {  	s18 =	sld [smem:$0x3FDB];
	_ =	sdelay $0x1  }
0x99: {  	s19 =	simm.s32 $_scs_section_size  }
0x9a: {  	s4 =	simm.s32 $_size__tile_overlayer_lowered;
	s5 =	simm.s32 $_tile_overlayer_lowered  }
0x9b: {  	s22 =	simm.s32 $0x1BFF;
	s21 =	sshll.u32 s5, $0x1;
	s2 =	sadd.s32 s19, s18  }
0x9c: {  	s6 =	simm.s32 $0x0;
	s20 =	sshll.u32 s4, $0x1;
	s4 =	sadd.s32 s21, s2  }
0x9d: {  	[timem:s6], [sflag:s22] =	dma.local [hbm:s4], s20  }
0x9e: {  	_ =	swait.ge [sflag:s22], s20  }
0x9f: {  	s3 =	ssub.s32 $0x0, s20;
	[sflag:s22] =	ssyncset.done $0x0  }
0xa0: {  	[sflag:s22] =	ssyncadd.s32 s3;
	_ =	sdelay $0x1  }
0xa1: {  	s23 =	simm.s32 $0x1B8B  }
0xa2: {  	_ =	swait.ge [sflag:s23], $0x1  }
0xa3: {  	[sflag:s23] =	ssyncset.done $0x0  }
0xa4: {  	s25 =	simm.s32 $0x1B8E;
	s24 =	sld [smem:$0x3FFE];
	[sflag:s23] =	ssyncadd.s32 $0xFFFFFFFF  }
0xa5: {  	s26 =	simm.s32 $execute0_lowered;
	[smem:$0x3FD2] =	sst s25  }
0xa6: {  	s4 =	sshll.u32 s26, $0x1;
	_ =	strace $0x80000049;
	[dreg:$0x1] =	wrdreg $0xFFFFFFFF  }
0xa7: {  	s28 =	simm.s32 $_size_execute0_lowered;
	s2 =	sadd.s32 s2, s4;
	[dreg:$0x0] =	wrdreg $0x0  }
0xa8: {  	s4 =	sshll.u32 s28, $0x1;
	[dreg:$0x2] =	wrdreg s2  }
0xa9: {  	[dreg:$0x3] =	wrdreg s4  }
0xaa: {  	[dreg:$0x4] =	wrdreg $0xC0  }
0xab: {  	_ =	task [dreg:s6], $0x5FFFF  }
0xac: {  	[dreg:$0x1] =	wrdreg $0xFFFFFFFF  }
0xad: {  	[dreg:$0x0] =	wrdreg $0x60  }
0xae: {  	[dreg:$0x2] =	wrdreg s24  }
0xaf: {  	[dreg:$0x3] =	wrdreg $0x0  }
0xb0: {  	[dreg:$0x4] =	wrdreg $0x9  }
0xb1: {  	_ =	task.clear_ibuf [dreg:s6], $0x5FFFF;
	_ =	strace $0x90000049  }
0xb2: {  	s29 =	simm.s32 $0x9;
	_ =	strace $0x8000004B  }
0xb3: {  	_ =	swait.ge [sflag:s29], $0x1  }
0xb4: {  	[sflag:s29] =	ssyncadd.s32 $0xFFFFFFFF  }
0xb5: {  	_ =	strace $0x9000004B  }
0xb6: {  	_ =	sfence  }
0xb7: {  	s30 =	sld [smem:$0x0];
	_ =	sdelay $0x2  }
0xb8: {  	s31 =	sshll.u32 s1, $0xD;
	s1 =	sshrl.u32 s1, $0x2  }
0xb9: {  	s3 =	sand.u32 $0x4000, s31;
	s1 =	sadd.s32 s1, s30  }
0xba: {  	s0 =	sor.u32 s3, s0;
	s1 =	sshll.u32 s1, $0x11  }
0xbb: {  	s0 =	sor.u32 s1, s0  }
0xbc: {  	s0 =	sadd.s32 $0x8F2B, s0  }
0xbd: {  	[sflag:s0] =	ssyncadd.remote.s32 $0x1  }
0xbe: {  	_ =	sfence.sel $0xFFFF  }
0xbf: {  	[dreg:$0x0] =	wrdreg $0xFFFFFFFF;
	(pc) =	sbr.abs _section_cstart, $3  }
0xc0: {  	[dreg:$0x1] =	wrdreg $0xFFFFFFFF  }
0xc1: {  	_ =	task.clear_ibuf [dreg:s6], $0x2FFFF;
	_ =	strace $0x9FFFFFFF  }
0xc2: {  	(tm) =	ssettm $0x7FFFFFFF  }
0xc3: {  	_ =	shalt  }
tec
execute0_lowered:
.L_overlay_start_1:
0x0: {  	(tag) =	ssettag $0x1  }
0x1: {  	s0 =	rddreg [dreg:$0x0]  }
0x2: {  	s1 =	rddreg [dreg:$0x1];
	s2 =	simm.s32 $0x0;
	s3 =	srdreg.scid  }
0x3: {  	s18 =	stileid.u32;
	s28 =	simm.s32 $0x1;
	s29 =	simm.s32 $0x2  }
0x4: {  	s30 =	simm.s32 $0x3;
	s31 =	simm.s32 $0x4;
	s7 =	smul.u32 $0x4F000, s18  }
0x5: {  	[smem:$0x7FF] =	sst s2;
	s4 =	sadd.s32 $0x18C00, s0;
	s9 =	smul.u32 $0x2780, s18  }
0x6: {  	s3 =	sand.u32 $0x1, s3;
	s5 =	sadd.s32 $0xEE00, s0;
	s16 =	smul.u32 $0x13C00, s18  }
0x7: {  	s8 =	sadd.s32 $0x5000, s0;
	s10 =	sadd.s32 $0x3FE00, s0;
	s17 =	smul.u32 $0x2710, s18  }
0x8: {  	s0 =	sadd.s32 $0x3DC80, s0;
	p0 =	seq.s32 s18, $0xF;
	_ =	strace $0x8000004A  }
0x9: {  	s6 =	sshll.u32 s3, $0x4;
	s11 =	ssub.s32 $0x2, s3;
	s13 =	smul.u32 $0x138800, s3  }
0xa: {  	s3 =	smul.u32 $0x27100, s3;
	[dreg:$0x5] =	wrdreg s0;
	s6 =	sor.u32 s18, s6  }
0xb: {  	s12 =	sshrl.u32 s11, $0x1;
	s7 =	sshrl.u32 s7, $0x2;
	s9 =	sadd.s32 s4, s9  }
0xc: {  	s6 =	smul.u32 $0x2710, s6;
	s11 =	ssub.s32 s11, s12;
	s7 =	sadd.s32 s7, s1  }
0xd: {  	[dreg:$0x4] =	wrdreg s9;
	s9 =	sadd.s32 $0x128400, s1;
	s21 =	sadd.s32 s16, s13  }
0xe: {  	s22 =	sshrl.u32 s13, $0x3;
	s3 =	sadd.s32 s17, s3;
	[dreg:$0x3] =	wrdreg s7  }
0xf: {  	s0 =	sshrl.u32 s21, $0x3;
	s23 =	sadd.s32 $0x80, s3;
	s26 =	smax.u32 s11, $0x1  }
0x10: {  	s3 =	sshrl.u32 s3, $0x3;
	s17 =	sshrl.u32 @p0 s9, $0x3;
	s21 =	simm.s32 $0x13900  }
0x11: {  	s7 =	simm.s32 $0x0;
	s6 =	sshrl.u32 s6, $0x3;
	s0 =	sadd.s32 s10, s0  }
0x12: {  	s25 =	sshrl.u32 s23, $0x3;
	[dreg:$0xa] =	wrdreg s26;
	s15 =	sadd.s32 s3, s8  }
0x13: {  	s16 =	sadd.s32 s3, s5;
	s23 =	simm.s32 $0x13A80;
	s26 =	simm.s32 $0x17A80  }
0x14: {  	s3 =	simm.s32 $0x1BB00;
	s6 =	sadd.s32 $0x4E0, s6;
	[dreg:$0x8] =	wrdreg s0  }
0x15: {  	s13 =	sadd.s32 s25, s8;
	s14 =	sadd.s32 s25, s5;
	s0 =	sshll.u32 @!p0 s18, $0x6  }
0x16: {  	s25 =	simm.s32 $0x13A00;
	s19 =	sadd.s32 s5, s6;
	s20 =	sadd.s32 s8, s6  }
0x17: {  	s6 =	sadd.s32 s10, s22;
	s18 =	sor.u32 @!p0 $0x1C05, s0;
	[dreg:$0x6] =	wrdreg s19  }
0x18: {  	s22 =	simm.s32 $0x80;
	s5 =	simm.s32 $0x10;
	[dreg:$0x7] =	wrdreg s20  }
0x19: {  	s24 =	sadd.s32 $0x25080, s6;
	s19 =	simm.s32 $0x13880;
	s20 =	simm.s32 $0x5  }
0x1a: {  	s6 =	simm.s32 $0x1BB80;
	[dreg:$0x9] =	wrdreg s24;
	s24 =	simm.s32 $0x13980  }
.LBB2_1:
0x1b: {  	s8 =	simm.s32 @p0 $0x1FC5;
	s0 =	rddreg [dreg:$0x5]  }
0x1c: {  	[spmem:s17], [sflag:s8] =	dma.local @p0 [hbm:s0], $0x2080  }
0x1d: {  	s8 =	simm.s32 @p0 $0x5  }
0x1e: {  	_ =	swait.ge @p0 [sflag:s8], $0x2080  }
0x1f: {  	s9 =	simm.s32 @!p0 $0x5;
	[sflag:s8] =	ssyncset.done @p0 $0x0;
	s0 =	rddreg [dreg:$0x3]  }
0x20: {  	[sflag:s8] =	ssyncadd.s32 @p0 $0xFFFFDF80;
	s8 =	sshrl.u32 @!p0 s0, $0x3;
	s0 =	rddreg [dreg:$0x4]  }
0x21: {  	[spmem:s8], [sflag:s18] =	dma.local @!p0 [hbm:s0], $0x2780  }
0x22: {  	_ =	swait.ge @!p0 [sflag:s9], $0x2780  }
0x23: {  	[sflag:s9] =	ssyncset.done @!p0 $0x0  }
0x24: {  	[sflag:s9] =	ssyncadd.s32 @!p0 $0xFFFFD880  }
0x25: {  	s0 =	sadd.s32 $0x0, s16;
	[bflag:$0x0] =	sbarrier.arrive $0xFFFF  }
0x26: {  	[tilespmem:s19], [sflag:$0x5] =	stream.linear.gather [hbm4b:s0+s2], $0x80, $0x38;
	[tilespmem:$0x1C380] =	vst v63  }
0x27: {  	_ =	swait.ge [sflag:s20], $0x80  }
0x28: {  	[sflag:s20] =	ssyncset.done $0x0  }
0x29: {  	s10 =	sadd.s32 $0x0, s15;
	[sflag:s20] =	ssyncadd.s32 $0xFFFFFF80  }
0x2a: {  	[tilespmem:s21], [sflag:$0x5] =	stream.linear.gather [hbm4b:s10+s2], $0x80, $0x38;
	[tilespmem:$0x1C380] =	vst v63  }
0x2b: {  	_ =	swait.ge [sflag:s20], $0x80  }
0x2c: {  	[sflag:s20] =	ssyncset.done $0x0  }
0x2d: {  	[sflag:s20] =	ssyncadd.s32 $0xFFFFFF80  }
0x2e: {  	[tilespmem:s23], [sflag:$0x1] =	stream.indirect.gather [hbm4b:s4+s22], $0x80, s19, s22, $0xb8;
	[tilespmem:$0x1C380] =	vst v63  }
0x2f: {  	s11 =	sadd.s32 $0x0, s14  }
0x30: {  	[tilespmem:s24], [sflag:$0x5] =	stream.linear.gather [hbm4b:s11+s2], $0x80, $0x38;
	[tilespmem:$0x1C380] =	vst v63  }
0x31: {  	_ =	swait.ge [sflag:s20], $0x80  }
0x32: {  	[sflag:s20] =	ssyncset.done $0x0  }
0x33: {  	s12 =	sadd.s32 $0x0, s13;
	[sflag:s20] =	ssyncadd.s32 $0xFFFFFF80  }
0x34: {  	[tilespmem:s25], [sflag:$0x5] =	stream.linear.gather [hbm4b:s12+s2], $0x80, $0x38;
	[tilespmem:$0x1C380] =	vst v63  }
0x35: {  	_ =	swait.ge [sflag:s20], $0x80  }
0x36: {  	[sflag:s20] =	ssyncset.done $0x0  }
0x37: {  	[sflag:s20] =	ssyncadd.s32 $0xFFFFFF80  }
0x38: {  	[tilespmem:s26], [sflag:$0x2] =	stream.indirect.gather [hbm4b:s4+s22], $0x80, s24, s22, $0xb8;
	[tilespmem:$0x1C380] =	vst v63  }
0x39: {  	_ =	swait.ge [sflag:s28], $0x4000  }
0x3a: {  	[sflag:s28] =	ssyncset.done $0x0  }
0x3b: {  	[sflag:s28] =	ssyncadd.s32 $0xFFFFC000  }
0x3c: {  	[spmem:s1] =	stream.indirect.scatter.add.f32 [tilespmem:s23], [sflag:$0x3], $0x80, s21, s22, $0xb8;
	[tilespmem:$0x1C380] =	vst v63  }
0x3d: {  	_ =	swait.ge [sflag:s29], $0x4000  }
0x3e: {  	[sflag:s29] =	ssyncset.done $0x0  }
0x3f: {  	[sflag:s29] =	ssyncadd.s32 $0xFFFFC000  }
0x40: {  	[spmem:s1] =	stream.indirect.scatter.add.f32 [tilespmem:s26], [sflag:$0x4], $0x80, s25, s22, $0xb8;
	[tilespmem:$0x1C380] =	vst v63  }
0x41: {  	_ =	swait.ge [sflag:s30], $0x4000  }
0x42: {  	[sflag:s30] =	ssyncset.done $0x0  }
0x43: {  	[sflag:s30] =	ssyncadd.s32 $0xFFFFC000  }
0x44: {  	_ =	swait.ge [sflag:s31], $0x4000  }
0x45: {  	s9 =	simm.s32 $0x20;
	s10 =	simm.s32 $0x40;
	[sflag:s31] =	ssyncset.done $0x0  }
.LBB2_2:
0x46: {  	s12 =	sadd.s32 s9, s16  }
0x47: {  	[sflag:s31] =	ssyncadd.s32 $0xFFFFC000;
	s0 =	smov.u32 s10;
	s11 =	sadd.s32 $0x20, s10  }
0x48: {  	[tilespmem:s19], [sflag:$0x5] =	stream.linear.gather [hbm4b:s12+s2], $0x80, $0x38;
	[tilespmem:$0x1C380] =	vst v63  }
0x49: {  	p1 =	sne.s32 s10, $0x4C0;
	_ =	swait.ge [sflag:s20], $0x80  }
0x4a: {  	[sflag:s20] =	ssyncset.done $0x0  }
0x4b: {  	s10 =	sadd.s32 s9, s15;
	[sflag:s20] =	ssyncadd.s32 $0xFFFFFF80  }
0x4c: {  	[tilespmem:s21], [sflag:$0x5] =	stream.linear.gather [hbm4b:s10+s2], $0x80, $0x38;
	[tilespmem:$0x1C380] =	vst v63  }
0x4d: {  	_ =	swait.ge [sflag:s20], $0x80  }
0x4e: {  	[sflag:s20] =	ssyncset.done $0x0  }
0x4f: {  	[sflag:s20] =	ssyncadd.s32 $0xFFFFFF80  }
0x50: {  	[tilespmem:s23], [sflag:$0x1] =	stream.indirect.gather [hbm4b:s4+s22], $0x80, s19, s22, $0xb8;
	[tilespmem:$0x1C380] =	vst v63  }
0x51: {  	s10 =	sadd.s32 s9, s14  }
0x52: {  	[tilespmem:s24], [sflag:$0x5] =	stream.linear.gather [hbm4b:s10+s2], $0x80, $0x38;
	[tilespmem:$0x1C380] =	vst v63  }
0x53: {  	_ =	swait.ge [sflag:s20], $0x80  }
0x54: {  	[sflag:s20] =	ssyncset.done $0x0  }
0x55: {  	s10 =	sadd.s32 s9, s13;
	s9 =	smov.u32 s0;
	[sflag:s20] =	ssyncadd.s32 $0xFFFFFF80  }
0x56: {  	[tilespmem:s25], [sflag:$0x5] =	stream.linear.gather [hbm4b:s10+s2], $0x80, $0x38;
	[tilespmem:$0x1C380] =	vst v63  }
0x57: {  	_ =	swait.ge [sflag:s20], $0x80  }
0x58: {  	[sflag:s20] =	ssyncset.done $0x0  }
0x59: {  	[sflag:s20] =	ssyncadd.s32 $0xFFFFFF80  }
0x5a: {  	[tilespmem:s26], [sflag:$0x2] =	stream.indirect.gather [hbm4b:s4+s22], $0x80, s24, s22, $0xb8;
	[tilespmem:$0x1C380] =	vst v63  }
0x5b: {  	_ =	swait.ge [sflag:s28], $0x4000  }
0x5c: {  	[sflag:s28] =	ssyncset.done $0x0  }
0x5d: {  	[sflag:s28] =	ssyncadd.s32 $0xFFFFC000  }
0x5e: {  	[spmem:s1] =	stream.indirect.scatter.add.f32 [tilespmem:s23], [sflag:$0x3], $0x80, s21, s22, $0xb8;
	[tilespmem:$0x1C380] =	vst v63  }
0x5f: {  	_ =	swait.ge [sflag:s29], $0x4000  }
0x60: {  	[sflag:s29] =	ssyncset.done $0x0  }
0x61: {  	[sflag:s29] =	ssyncadd.s32 $0xFFFFC000  }
0x62: {  	[spmem:s1] =	stream.indirect.scatter.add.f32 [tilespmem:s26], [sflag:$0x4], $0x80, s25, s22, $0xb8;
	[tilespmem:$0x1C380] =	vst v63  }
.Ltmp0:
0x63: {  	_ =	swait.ge [sflag:s30], $0x4000;
	(pc) =	sbr.rel @p1 .LBB2_2-.Ltmp0, $4  }
0x64: {  	[sflag:s30] =	ssyncset.done $0x0  }
0x65: {  	[sflag:s30] =	ssyncadd.s32 $0xFFFFC000  }
0x66: {  	_ =	swait.ge [sflag:s31], $0x4000  }
0x67: {  	s10 =	smov.u32 s11;
	[sflag:s31] =	ssyncset.done $0x0  }
0x68: {  	s0 =	sadd.s32 s9, s16;
	[sflag:s31] =	ssyncadd.s32 $0xFFFFC000  }
0x69: {  	[tilespmem:s19], [sflag:$0x5] =	stream.linear.gather [hbm4b:s0+s2], $0x80, $0x38;
	[tilespmem:$0x1C380] =	vst v63  }
0x6a: {  	_ =	swait.ge [sflag:s20], $0x80  }
0x6b: {  	[sflag:s20] =	ssyncset.done $0x0  }
0x6c: {  	s10 =	sadd.s32 s9, s15;
	[sflag:s20] =	ssyncadd.s32 $0xFFFFFF80  }
0x6d: {  	[tilespmem:s21], [sflag:$0x5] =	stream.linear.gather [hbm4b:s10+s2], $0x80, $0x38;
	[tilespmem:$0x1C380] =	vst v63  }
0x6e: {  	_ =	swait.ge [sflag:s20], $0x80  }
0x6f: {  	[sflag:s20] =	ssyncset.done $0x0  }
0x70: {  	[sflag:s20] =	ssyncadd.s32 $0xFFFFFF80  }
0x71: {  	[tilespmem:s23], [sflag:$0x1] =	stream.indirect.gather [hbm4b:s4+s22], $0x80, s19, s22, $0xb8;
	[tilespmem:$0x1C380] =	vst v63  }
0x72: {  	s11 =	sadd.s32 s9, s14  }
0x73: {  	[tilespmem:s24], [sflag:$0x5] =	stream.linear.gather [hbm4b:s11+s2], $0x80, $0x38;
	[tilespmem:$0x1C380] =	vst v63  }
0x74: {  	_ =	swait.ge [sflag:s20], $0x80  }
0x75: {  	[sflag:s20] =	ssyncset.done $0x0  }
0x76: {  	s12 =	sadd.s32 s9, s13;
	[sflag:s20] =	ssyncadd.s32 $0xFFFFFF80  }
0x77: {  	[tilespmem:s25], [sflag:$0x5] =	stream.linear.gather [hbm4b:s12+s2], $0x80, $0x38;
	[tilespmem:$0x1C380] =	vst v63  }
0x78: {  	_ =	swait.ge [sflag:s20], $0x80  }
0x79: {  	[sflag:s20] =	ssyncset.done $0x0  }
0x7a: {  	[sflag:s20] =	ssyncadd.s32 $0xFFFFFF80  }
0x7b: {  	[tilespmem:s26], [sflag:$0x2] =	stream.indirect.gather [hbm4b:s4+s22], $0x80, s24, s22, $0xb8;
	[tilespmem:$0x1C380] =	vst v63  }
0x7c: {  	_ =	swait.ge [sflag:s28], $0x4000  }
0x7d: {  	[sflag:s28] =	ssyncset.done $0x0  }
0x7e: {  	[sflag:s28] =	ssyncadd.s32 $0xFFFFC000  }
0x7f: {  	[spmem:s1] =	stream.indirect.scatter.add.f32 [tilespmem:s23], [sflag:$0x3], $0x80, s21, s22, $0xb8;
	[tilespmem:$0x1C380] =	vst v63  }
0x80: {  	_ =	swait.ge [sflag:s29], $0x4000  }
0x81: {  	[sflag:s29] =	ssyncset.done $0x0  }
0x82: {  	[sflag:s29] =	ssyncadd.s32 $0xFFFFC000  }
0x83: {  	[spmem:s1] =	stream.indirect.scatter.add.f32 [tilespmem:s26], [sflag:$0x4], $0x80, s25, s22, $0xb8;
	[tilespmem:$0x1C380] =	vst v63  }
0x84: {  	_ =	swait.ge [sflag:s30], $0x4000  }
0x85: {  	[sflag:s30] =	ssyncset.done $0x0  }
0x86: {  	[sflag:s30] =	ssyncadd.s32 $0xFFFFC000  }
0x87: {  	_ =	swait.ge [sflag:s31], $0x4000  }
0x88: {  	[sflag:s31] =	ssyncset.done $0x0  }
0x89: {  	s10 =	simm.s32 $0x1BA80;
	s9 =	rddreg [dreg:$0x6];
	[sflag:s31] =	ssyncadd.s32 $0xFFFFC000  }
0x8a: {  	[tilespmem:s10], [sflag:$0x5] =	stream.linear.gather [hbm4b:s9+s2], $0x10, $0x38;
	[tilespmem:$0x1C380] =	vst v63  }
0x8b: {  	_ =	swait.ge [sflag:s20], $0x10  }
0x8c: {  	[sflag:s20] =	ssyncset.done $0x0  }
0x8d: {  	s11 =	rddreg [dreg:$0x7];
	[sflag:s20] =	ssyncadd.s32 $0xFFFFFFF0  }
0x8e: {  	[tilespmem:s3], [sflag:$0x5] =	stream.linear.gather [hbm4b:s11+s2], $0x10, $0x38;
	[tilespmem:$0x1C380] =	vst v63  }
0x8f: {  	_ =	swait.ge [sflag:s20], $0x10  }
0x90: {  	[sflag:s20] =	ssyncset.done $0x0  }
0x91: {  	[sflag:s20] =	ssyncadd.s32 $0xFFFFFFF0  }
0x92: {  	[tilespmem:s6], [sflag:$0x1] =	stream.indirect.gather [hbm4b:s4+s5], $0x80, s10, s5, $0xb8;
	[tilespmem:$0x1C380] =	vst v63  }
0x93: {  	_ =	swait.ge [sflag:s28], $0x800  }
0x94: {  	[sflag:s28] =	ssyncset.done $0x0  }
0x95: {  	[sflag:s28] =	ssyncadd.s32 $0xFFFFF800  }
0x96: {  	[spmem:s1] =	stream.indirect.scatter.add.f32 [tilespmem:s6], [sflag:$0x5], $0x80, s3, s5, $0xb8;
	[tilespmem:$0x1C380] =	vst v63  }
0x97: {  	_ =	swait.ge [sflag:s20], $0x800  }
0x98: {  	[sflag:s20] =	ssyncset.done $0x0  }
0x99: {  	[sflag:s20] =	ssyncadd.s32 $0xFFFFF800  }
0x9a: {  	[bflag:$0x0] =	sbarrier.arrive $0xFFFF  }
0x9b: {  	s0 =	simm.s32 @p0 $0x1FC5;
	s9 =	rddreg [dreg:$0x9]  }
0x9c: {  	[hbm:s9], [sflag:s0] =	dma.local @p0 [spmem:s17], $0x2080  }
0x9d: {  	s0 =	simm.s32 @p0 $0x5  }
0x9e: {  	_ =	swait.ge @p0 [sflag:s0], $0x2080  }
0x9f: {  	[sflag:s0] =	ssyncset.done @p0 $0x0  }
0xa0: {  	[sflag:s0] =	ssyncadd.s32 @p0 $0xFFFFDF80;
	s0 =	rddreg [dreg:$0x8]  }
0xa1: {  	[hbm:s0], [sflag:s18] =	dma.local @!p0 [spmem:s8], $0x2780  }
0xa2: {  	s0 =	simm.s32 @!p0 $0x5  }
0xa3: {  	_ =	swait.ge @!p0 [sflag:s0], $0x2780  }
0xa4: {  	s7 =	sadd.s32 $0x1, s7;
	s12 =	rddreg [dreg:$0xa]  }
0xa5: {  	p1 =	sne.s32 s7, s12  }
.Ltmp1:
0xa6: {  	_ = 	snop;
	(pc) =	sbr.rel @p1 .LBB2_1-.Ltmp1, $3  }
0xa7: {  	_ =	sdelay $0x1  }
0xa8: {  	[sflag:s0] =	ssyncset.done @!p0 $0x0  }
0xa9: {  	[sflag:s0] =	ssyncadd.s32 @!p0 $0xFFFFD880  }
0xaa: {  	_ =	sfence.sel $0x180000  }
0xab: {  	[bflag:$0x0] =	sbarrier.arrive $0xFFFF  }
0xac: {  	_ =	strace $0x9000004A  }
0xad: {  	s0 =	stileid.u32;
	[bflag:$0x2] =	sbarrier.arrive $0xFFFF  }
0xae: {  	p0 =	sne.s32 s0, $0x0;
	s0 =	rddreg [dreg:$0x2]  }
0xaf: {  	s0 =	sadd.s32 @!p0 $0x100000, s0  }
0xb0: {  	[sflag:s0] =	ssyncadd.tile.s32 @!p0 $0x1;
	_ =	shalt  }
.Lfunc_end2:
_tile_overlayer_lowered:
.L_overlay_start_2:
0xb1: {  	(tag) =	ssettag $0x2  }
0xb2: {  	s0 =	rddreg [dreg:$0x0];
	s2 =	stileid.u32  }
0xb3: {  	s1 =	rddreg [dreg:$0x1];
	p0 =	sne.s32 s2, $0x0  }
0xb4: {  	s3 =	rddreg [dreg:$0x2];
	[bflag:$0x3] =	sbarrier.arrive $0xFFFF;
	s2 =	simm.s32 @!p0 $0x1C05  }
0xb5: {  	[timem:s3], [sflag:s2] =	dma.local @!p0 [hbm:s0], s1  }
0xb6: {  	s0 =	simm.s32 @!p0 $0x5  }
0xb7: {  	_ =	swait.ge @!p0 [sflag:s0], s1  }
0xb8: {  	s1 =	ssub.s32 @!p0 $0x0, s1;
	[sflag:s0] =	ssyncset.done @!p0 $0x0  }
0xb9: {  	[sflag:s0] =	ssyncadd.s32 @!p0 s1  }
0xba: {  	[bflag:$0x3] =	sbarrier.arrive $0xFFFF  }
0xbb: {  	_ =	shalt  }

// kernel: kernel.7.cloned.1.call-start
scs
__scs_entry_jumppad:
0x0: {  	(pc) =	sbr.rel $0x88, $3  }
0x1: {  	(tag) =	ssettag $0x0;
	lr =	simm.s32 $0x1  }
0x2: {  	[smem:$0x3F81] =	sst lr;
	_ =	strace $0xD0000000  }
0x3: {  	_ = 	snop  }
0x4: {  	_ = 	snop  }
0x5: {  	_ = 	snop  }
0x6: {  	_ = 	snop  }
0x7: {  	_ = 	snop  }
__scs_overlays_trampoline_lowered:
0x8: {  	[smem:$0x3F90] =	sst s0  }
0x9: {  	[smem:$0x3F91] =	sst s1  }
0xa: {  	[smem:$0x3F92] =	sst s2  }
0xb: {  	[smem:$0x3F93] =	sst s3  }
0xc: {  	[smem:$0x3F94] =	sst s4  }
0xd: {  	[smem:$0x3F95] =	sst s5  }
0xe: {  	[smem:$0x3F96] =	sst s6  }
0xf: {  	[smem:$0x3F97] =	sst s7  }
0x10: {  	[smem:$0x3F98] =	sst s8  }
0x11: {  	[smem:$0x3F99] =	sst s9;
	s0 =	simm.s32 @!p0 $0x0  }
0x12: {  	s1 =	sld [smem:$0x3F7F];
	s0 =	simm.s32 @p0 $0x1  }
0x13: {  	[smem:$0x3F9A] =	sst s0;
	s0 =	simm.s32 @!p1 $0x0  }
0x14: {  	s2 =	sld [smem:$0x3F7E];
	s0 =	simm.s32 @p1 $0x1  }
0x15: {  	[smem:$0x3F9B] =	sst s0;
	s0 =	simm.s32 @!p2 $0x0  }
0x16: {  	s3 =	sld [smem:$0x3FDB];
	s0 =	simm.s32 @p2 $0x1  }
0x17: {  	s4 =	simm.s32 $0x1BF5;
	[smem:$0x3F9D] =	sst s0  }
0x18: {  	s0 =	sld [smem:$0x3F80];
	_ =	swait.ge [sflag:s4], $0x0  }
0x19: {  	s7 =	sld [smem:$0x3F81]  }
0x1a: {  	s8 =	sadd.s32 $0xFFFFE003, lr  }
0x1b: {  	s9 =	sadd.s32 $0xFFFFFEF7, lr;
	s5 =	simm.s32 $0xFFFFFFFF;
	p2 =	slt.u32 s8, $0xFFFFF086  }
0x1c: {  	p1 =	slt.u32 s9, $0xF7A;
	s5 =	simm.s32 @!p2 $0x0  }
0x1d: {  	s5 =	simm.s32 @p1 $0x1;
	p0 =	seq.s32 s7, s2  }
0x1e: {  	s7 =	smul.u32 @!p0 $0xF7A, s2;
	p2 =	seq.s32 @!p0 s5, $0x0  }
0x1f: {  	s9 =	smul.u32 $0xF7A, s1;
	s8 =	simm.s32 @!p0 $0x1BF5;
	p2 =	por !p2, p0  }
0x20: {  	[sflag:s8] =	ssyncset.s32 @!p0 $0xFFFFF086;
	s6 =	sadd.s32 @!p0 s3, s7;
	s7 =	simm.s32 @!p0 $0x108  }
0x21: {  	s3 =	sadd.s32 s3, s9;
	s6 =	sadd.s32 @!p0 $0x88, s6;
	s7 =	simm.s32 @p2 $0x1082  }
0x22: {  	[simem:s7], [sflag:s8] =	dma.local @!p0 [hbm:s6], $0xF7A  }
0x23: {  	s9 =	sor.u32 $0xD0000000, s2;
	s6 =	simm.s32 $0x108;
	_ =	swait.ge @!p0 [sflag:s8], $0x0  }
0x24: {  	s3 =	sadd.s32 $0x88, s3;
	s6 =	simm.s32 @!p1 $0x1082;
	[sflag:s4] =	ssyncset.s32 $0xFFFFF086  }
0x25: {  	[simem:s6], [sflag:s4] =	dma.local [hbm:s3], $0xF7A  }
0x26: {  	[smem:$0x3F81] =	sst s1;
	(tag) =	ssettag s2;
	_ =	strace s9  }
0x27: {  	s1 =	sld [smem:$0x3F91]  }
0x28: {  	s2 =	sld [smem:$0x3F92]  }
0x29: {  	s4 =	sld [smem:$0x3F94]  }
0x2a: {  	p0 =	seq.s32 s5, $0x0;
	s5 =	sld [smem:$0x3F95]  }
0x2b: {  	s6 =	sld [smem:$0x3F96]  }
0x2c: {  	s7 =	sld [smem:$0x3F97]  }
0x2d: {  	s3 =	simm.s32 $0x108;
	s8 =	sld [smem:$0x3F98]  }
0x2e: {  	s3 =	simm.s32 @!p0 $0x1082;
	s9 =	sld [smem:$0x3F99]  }
0x2f: {  	lr =	sadd.s32 s0, s3;
	s0 =	sld [smem:$0x3F90]  }
0x30: {  	s3 =	sld [smem:$0x3F93]  }
0x31: {  	[smem:$0x3F9C] =	sst s10  }
0x32: {  	s10 =	sld [smem:$0x3F9A];
	_ =	sdelay $0x3  }
0x33: {  	p0 =	seq.s32 s10, $0x1;
	s10 =	sld [smem:$0x3F9C];
	_ =	sdelay $0x3  }
0x34: {  	[smem:$0x3F9C] =	sst s10  }
0x35: {  	s10 =	sld [smem:$0x3F9B];
	_ =	sdelay $0x3  }
0x36: {  	p1 =	seq.s32 s10, $0x1;
	s10 =	sld [smem:$0x3F9C];
	_ =	sdelay $0x3  }
0x37: {  	[smem:$0x3F9C] =	sst s10  }
0x38: {  	s10 =	sld [smem:$0x3F9D]  }
0x39: {  	_ = 	snop;
	(pc) =	sbr.ind lr, $3  }
0x3a: {  	_ = 	snop  }
0x3b: {  	_ = 	snop  }
0x3c: {  	p2 =	seq.s32 s10, $0x1;
	s10 =	sld [smem:$0x3F9C]  }
0x3d: {  	_ =	shalt  }
0x3e: {  	_ =	shalt  }
0x3f: {  	_ =	shalt  }
0x40: {  	_ =	shalt  }
0x41: {  	_ =	shalt  }
0x42: {  	_ =	shalt  }
0x43: {  	_ =	shalt  }
0x44: {  	_ =	shalt  }
0x45: {  	_ =	shalt  }
0x46: {  	_ =	shalt  }
0x47: {  	_ =	shalt  }
0x48: {  	_ =	shalt  }
0x49: {  	_ =	shalt  }
0x4a: {  	_ =	shalt  }
0x4b: {  	_ =	shalt  }
0x4c: {  	_ =	shalt  }
0x4d: {  	_ =	shalt  }
0x4e: {  	_ =	shalt  }
0x4f: {  	_ =	shalt  }
0x50: {  	_ =	shalt  }
0x51: {  	_ =	shalt  }
0x52: {  	_ =	shalt  }
0x53: {  	_ =	shalt  }
0x54: {  	_ =	shalt  }
0x55: {  	_ =	shalt  }
0x56: {  	_ =	shalt  }
0x57: {  	_ =	shalt  }
0x58: {  	_ =	shalt  }
0x59: {  	_ =	shalt  }
0x5a: {  	_ =	shalt  }
0x5b: {  	_ =	shalt  }
0x5c: {  	_ =	shalt  }
0x5d: {  	_ =	shalt  }
0x5e: {  	_ =	shalt  }
0x5f: {  	_ =	shalt  }
0x60: {  	_ =	shalt  }
0x61: {  	_ =	shalt  }
0x62: {  	_ =	shalt  }
0x63: {  	_ =	shalt  }
0x64: {  	_ =	shalt  }
0x65: {  	_ =	shalt  }
0x66: {  	_ =	shalt  }
0x67: {  	_ =	shalt  }
0x68: {  	_ =	shalt  }
0x69: {  	_ =	shalt  }
0x6a: {  	_ =	shalt  }
0x6b: {  	_ =	shalt  }
0x6c: {  	_ =	shalt  }
0x6d: {  	_ =	shalt  }
0x6e: {  	_ =	shalt  }
0x6f: {  	_ =	shalt  }
0x70: {  	_ =	shalt  }
0x71: {  	_ =	shalt  }
0x72: {  	_ =	shalt  }
0x73: {  	_ =	shalt  }
0x74: {  	_ =	shalt  }
0x75: {  	_ =	shalt  }
0x76: {  	_ =	shalt  }
0x77: {  	_ =	shalt  }
0x78: {  	_ =	shalt  }
0x79: {  	_ =	shalt  }
0x7a: {  	_ =	shalt  }
0x7b: {  	_ =	shalt  }
0x7c: {  	_ =	shalt  }
0x7d: {  	_ =	shalt  }
0x7e: {  	_ =	shalt  }
0x7f: {  	_ =	shalt  }
0x80: {  	_ =	shalt  }
0x81: {  	_ =	shalt  }
0x82: {  	_ =	shalt  }
0x83: {  	_ =	shalt  }
0x84: {  	_ =	shalt  }
0x85: {  	_ =	shalt  }
0x86: {  	_ =	shalt  }
0x87: {  	_ =	shalt  }
.Lfunc_end0:
.L_simem_size_0:
called_computation_lowered:
.L_overlay_start_0:
0x88: {  	s2 =	sld [smem:$0x3FD9]  }
0x89: {  	s3 =	sld [smem:$0x3FFE];
	_ =	sdelay $0x1  }
0x8a: {  	s1 =	srdreg.scid  }
0x8b: {  	s0 =	sand.u32 $0x1, s1  }
0x8c: {  	s17 =	sshll.u32 s0, $0xA;
	s2 =	sadd.s32 s3, s2  }
0x8d: {  	s2 =	sadd.s32 s2, s17  }
0x8e: {  	[smem:$0x3FA8] =	sst s2  }
0x8f: {  	_ = 	snop  }
0x90: {  	s2 =	sld [smem:$0x3FC9];
	(tm) =	ssettm $0x1  }
0x91: {  	s18 =	sld [smem:$0x3FFB];
	_ =	sdelay $0x3  }
0x92: {  	_ =	strace s18  }
0x93: {  	s3 =	sld [smem:$0x3FFC];
	_ =	sdelay $0x3  }
0x94: {  	_ =	strace s3  }
0x95: {  	s3 =	sld [smem:$0x3FFD];
	_ =	sdelay $0x3  }
0x96: {  	_ =	strace s3  }
0x97: {  	_ =	strace $0x8FFFFFFF  }
0x98: {  	s19 =	sld [smem:$0x3FDB];
	_ =	sdelay $0x1  }
0x99: {  	s4 =	simm.s32 $_scs_section_size  }
0x9a: {  	s5 =	simm.s32 $_size__tile_overlayer_lowered;
	s6 =	simm.s32 $_tile_overlayer_lowered  }
0x9b: {  	s22 =	simm.s32 $0x1BFF;
	s21 =	sshll.u32 s6, $0x1;
	s3 =	sadd.s32 s4, s19  }
0x9c: {  	s7 =	simm.s32 $0x0;
	s20 =	sshll.u32 s5, $0x1;
	s5 =	sadd.s32 s21, s3  }
0x9d: {  	[timem:s7], [sflag:s22] =	dma.local [hbm:s5], s20  }
0x9e: {  	_ =	swait.ge [sflag:s22], s20  }
0x9f: {  	s4 =	ssub.s32 $0x0, s20;
	[sflag:s22] =	ssyncset.done $0x0  }
0xa0: {  	[sflag:s22] =	ssyncadd.s32 s4;
	_ =	sdelay $0x1  }
0xa1: {  	s23 =	simm.s32 $0x1B8B  }
0xa2: {  	_ =	swait.ge [sflag:s23], $0x1  }
0xa3: {  	[sflag:s23] =	ssyncset.done $0x0  }
0xa4: {  	s25 =	simm.s32 $0x1B8E;
	s24 =	sld [smem:$0x3FFE];
	[sflag:s23] =	ssyncadd.s32 $0xFFFFFFFF  }
0xa5: {  	s26 =	simm.s32 $execute0_lowered;
	[smem:$0x3FD2] =	sst s25  }
0xa6: {  	s5 =	sshll.u32 s26, $0x1;
	_ =	strace $0x80000046;
	[dreg:$0x1] =	wrdreg $0xFFFFFFFF  }
0xa7: {  	s28 =	simm.s32 $_size_execute0_lowered;
	s3 =	sadd.s32 s3, s5;
	[dreg:$0x0] =	wrdreg $0x0  }
0xa8: {  	s5 =	sshll.u32 s28, $0x1;
	[dreg:$0x2] =	wrdreg s3  }
0xa9: {  	[dreg:$0x3] =	wrdreg s5  }
0xaa: {  	[dreg:$0x4] =	wrdreg $0xC0  }
0xab: {  	_ =	task [dreg:s7], $0x5FFFF  }
0xac: {  	[dreg:$0x1] =	wrdreg $0xFFFFFFFF  }
0xad: {  	[dreg:$0x0] =	wrdreg $0x60  }
0xae: {  	[dreg:$0x2] =	wrdreg s2  }
0xaf: {  	[dreg:$0x3] =	wrdreg s24  }
0xb0: {  	[dreg:$0x4] =	wrdreg $0x0  }
0xb1: {  	[dreg:$0x5] =	wrdreg $0x9  }
0xb2: {  	_ =	task.clear_ibuf [dreg:s7], $0x6FFFF;
	_ =	strace $0x90000046  }
0xb3: {  	s29 =	simm.s32 $0x9;
	_ =	strace $0x80000048  }
0xb4: {  	_ =	swait.ge [sflag:s29], $0x1  }
0xb5: {  	[sflag:s29] =	ssyncadd.s32 $0xFFFFFFFF  }
0xb6: {  	_ =	strace $0x90000048  }
0xb7: {  	_ =	sfence  }
0xb8: {  	s30 =	sld [smem:$0x0];
	_ =	sdelay $0x2  }
0xb9: {  	s31 =	sshll.u32 s1, $0xD;
	s1 =	sshrl.u32 s1, $0x2  }
0xba: {  	s3 =	sand.u32 $0x4000, s31;
	s1 =	sadd.s32 s1, s30  }
0xbb: {  	s0 =	sor.u32 s3, s0;
	s1 =	sshll.u32 s1, $0x11  }
0xbc: {  	s0 =	sor.u32 s1, s0  }
0xbd: {  	s0 =	sadd.s32 $0x8F2B, s0  }
0xbe: {  	[sflag:s0] =	ssyncadd.remote.s32 $0x1  }
0xbf: {  	_ =	sfence.sel $0xFFFF  }
0xc0: {  	[dreg:$0x0] =	wrdreg $0xFFFFFFFF;
	(pc) =	sbr.abs _section_cstart, $3  }
0xc1: {  	[dreg:$0x1] =	wrdreg $0xFFFFFFFF  }
0xc2: {  	_ =	task.clear_ibuf [dreg:s7], $0x2FFFF;
	_ =	strace $0x9FFFFFFF  }
0xc3: {  	(tm) =	ssettm $0x7FFFFFFF  }
tec
execute0_lowered:
.L_overlay_start_1:
0x0: {  	(tag) =	ssettag $0x1  }
0x1: {  	s1 =	rddreg [dreg:$0x0]  }
0x2: {  	s0 =	rddreg [dreg:$0x1]  }
0x3: {  	s2 =	rddreg [dreg:$0x2];
	s4 =	simm.s32 $0x0  }
0x4: {  	s3 =	srdreg.scid;
	s18 =	stileid.u32;
	s28 =	simm.s32 $0x1  }
0x5: {  	s29 =	simm.s32 $0x2;
	s30 =	simm.s32 $0x3;
	s7 =	smul.u32 $0x4F000, s18  }
0x6: {  	s31 =	simm.s32 $0x4;
	[smem:$0x7FF] =	sst s4;
	s9 =	smul.u32 $0x2780, s18  }
0x7: {  	s3 =	sand.u32 $0x1, s3;
	s5 =	sadd.s32 $0xEE00, s0;
	s19 =	smul.u32 $0x13C00, s18  }
0x8: {  	s8 =	sadd.s32 $0x5000, s0;
	s0 =	sadd.s32 $0x18C00, s0;
	s20 =	smul.u32 $0x2710, s18  }
0x9: {  	s13 =	sadd.s32 $0x25080, s1;
	p0 =	seq.s32 s18, $0xF;
	_ =	strace $0x80000047  }
0xa: {  	s6 =	sshll.u32 s3, $0x4;
	s10 =	ssub.s32 $0x2, s3;
	s12 =	smul.u32 $0x138800, s3  }
0xb: {  	s3 =	smul.u32 $0x27100, s3;
	[dreg:$0x6] =	wrdreg s13;
	s6 =	sor.u32 s18, s6  }
0xc: {  	s11 =	sshrl.u32 s10, $0x1;
	s7 =	sshrl.u32 s7, $0x2;
	s9 =	sadd.s32 s1, s9  }
0xd: {  	s6 =	smul.u32 $0x2710, s6;
	s10 =	ssub.s32 s10, s11;
	s7 =	sadd.s32 s7, s2  }
0xe: {  	[dreg:$0x5] =	wrdreg s9;
	s9 =	sadd.s32 $0x128400, s2;
	s22 =	sadd.s32 s19, s12  }
0xf: {  	s23 =	sshrl.u32 s12, $0x3;
	s3 =	sadd.s32 s20, s3;
	s19 =	simm.s32 $0x13880  }
0x10: {  	s20 =	simm.s32 $0x5;
	[dreg:$0x4] =	wrdreg s7;
	s7 =	sadd.s32 s0, s23  }
0x11: {  	s11 =	sadd.s32 $0x80, s3;
	s26 =	smax.u32 s10, $0x1;
	s3 =	sshrl.u32 s3, $0x3  }
0x12: {  	s17 =	sshrl.u32 @p0 s9, $0x3;
	s23 =	simm.s32 $0x13A80;
	s6 =	sshrl.u32 s6, $0x3  }
0x13: {  	s24 =	sadd.s32 $0x25080, s7;
	s25 =	sshrl.u32 s11, $0x3;
	[dreg:$0xb] =	wrdreg s26  }
0x14: {  	s15 =	sadd.s32 s3, s8;
	s16 =	sadd.s32 s3, s5;
	s26 =	simm.s32 $0x17A80  }
0x15: {  	s3 =	simm.s32 $0x1BB00;
	s7 =	simm.s32 $0x0;
	s6 =	sadd.s32 $0x4E0, s6  }
0x16: {  	[dreg:$0xa] =	wrdreg s24;
	s13 =	sadd.s32 s25, s8;
	s14 =	sadd.s32 s25, s5  }
0x17: {  	s24 =	simm.s32 $0x13980;
	s21 =	sadd.s32 s5, s6;
	s6 =	sadd.s32 s8, s6  }
0x18: {  	s25 =	simm.s32 $0x13A00;
	[dreg:$0x8] =	wrdreg s6;
	s6 =	sshrl.u32 s22, $0x3  }
0x19: {  	s5 =	simm.s32 $0x10;
	[dreg:$0x7] =	wrdreg s21;
	s0 =	sadd.s32 s0, s6  }
0x1a: {  	s21 =	simm.s32 $0x13900;
	[dreg:$0x9] =	wrdreg s0;
	s0 =	sshll.u32 @!p0 s18, $0x6  }
0x1b: {  	s22 =	simm.s32 $0x80;
	s6 =	simm.s32 $0x1BB80;
	s18 =	sor.u32 @!p0 $0x1C05, s0  }
.LBB2_1:
0x1c: {  	s8 =	simm.s32 @p0 $0x1FC5;
	s0 =	rddreg [dreg:$0x6]  }
0x1d: {  	[spmem:s17], [sflag:s8] =	dma.local @p0 [hbm:s0], $0x2080  }
0x1e: {  	s8 =	simm.s32 @p0 $0x5  }
0x1f: {  	_ =	swait.ge @p0 [sflag:s8], $0x2080  }
0x20: {  	s9 =	simm.s32 @!p0 $0x5;
	[sflag:s8] =	ssyncset.done @p0 $0x0;
	s0 =	rddreg [dreg:$0x4]  }
0x21: {  	[sflag:s8] =	ssyncadd.s32 @p0 $0xFFFFDF80;
	s8 =	sshrl.u32 @!p0 s0, $0x3;
	s0 =	rddreg [dreg:$0x5]  }
0x22: {  	[spmem:s8], [sflag:s18] =	dma.local @!p0 [hbm:s0], $0x2780  }
0x23: {  	_ =	swait.ge @!p0 [sflag:s9], $0x2780  }
0x24: {  	[sflag:s9] =	ssyncset.done @!p0 $0x0  }
0x25: {  	[sflag:s9] =	ssyncadd.s32 @!p0 $0xFFFFD880  }
0x26: {  	s0 =	sadd.s32 $0x0, s16;
	[bflag:$0x0] =	sbarrier.arrive $0xFFFF  }
0x27: {  	[tilespmem:s19], [sflag:$0x5] =	stream.linear.gather [hbm4b:s0+s4], $0x80, $0x38;
	[tilespmem:$0x1C380] =	vst v63  }
0x28: {  	_ =	swait.ge [sflag:s20], $0x80  }
0x29: {  	[sflag:s20] =	ssyncset.done $0x0  }
0x2a: {  	s10 =	sadd.s32 $0x0, s15;
	[sflag:s20] =	ssyncadd.s32 $0xFFFFFF80  }
0x2b: {  	[tilespmem:s21], [sflag:$0x5] =	stream.linear.gather [hbm4b:s10+s4], $0x80, $0x38;
	[tilespmem:$0x1C380] =	vst v63  }
0x2c: {  	_ =	swait.ge [sflag:s20], $0x80  }
0x2d: {  	[sflag:s20] =	ssyncset.done $0x0  }
0x2e: {  	[sflag:s20] =	ssyncadd.s32 $0xFFFFFF80  }
0x2f: {  	[tilespmem:s23], [sflag:$0x1] =	stream.indirect.gather [hbm4b:s1+s22], $0x80, s19, s22, $0xb8;
	[tilespmem:$0x1C380] =	vst v63  }
0x30: {  	s11 =	sadd.s32 $0x0, s14  }
0x31: {  	[tilespmem:s24], [sflag:$0x5] =	stream.linear.gather [hbm4b:s11+s4], $0x80, $0x38;
	[tilespmem:$0x1C380] =	vst v63  }
0x32: {  	_ =	swait.ge [sflag:s20], $0x80  }
0x33: {  	[sflag:s20] =	ssyncset.done $0x0  }
0x34: {  	s12 =	sadd.s32 $0x0, s13;
	[sflag:s20] =	ssyncadd.s32 $0xFFFFFF80  }
0x35: {  	[tilespmem:s25], [sflag:$0x5] =	stream.linear.gather [hbm4b:s12+s4], $0x80, $0x38;
	[tilespmem:$0x1C380] =	vst v63  }
0x36: {  	_ =	swait.ge [sflag:s20], $0x80  }
0x37: {  	[sflag:s20] =	ssyncset.done $0x0  }
0x38: {  	[sflag:s20] =	ssyncadd.s32 $0xFFFFFF80  }
0x39: {  	[tilespmem:s26], [sflag:$0x2] =	stream.indirect.gather [hbm4b:s1+s22], $0x80, s24, s22, $0xb8;
	[tilespmem:$0x1C380] =	vst v63  }
0x3a: {  	_ =	swait.ge [sflag:s28], $0x4000  }
0x3b: {  	[sflag:s28] =	ssyncset.done $0x0  }
0x3c: {  	[sflag:s28] =	ssyncadd.s32 $0xFFFFC000  }
0x3d: {  	[spmem:s2] =	stream.indirect.scatter.add.f32 [tilespmem:s23], [sflag:$0x3], $0x80, s21, s22, $0xb8;
	[tilespmem:$0x1C380] =	vst v63  }
0x3e: {  	_ =	swait.ge [sflag:s29], $0x4000  }
0x3f: {  	[sflag:s29] =	ssyncset.done $0x0  }
0x40: {  	[sflag:s29] =	ssyncadd.s32 $0xFFFFC000  }
0x41: {  	[spmem:s2] =	stream.indirect.scatter.add.f32 [tilespmem:s26], [sflag:$0x4], $0x80, s25, s22, $0xb8;
	[tilespmem:$0x1C380] =	vst v63  }
0x42: {  	_ =	swait.ge [sflag:s30], $0x4000  }
0x43: {  	[sflag:s30] =	ssyncset.done $0x0  }
0x44: {  	[sflag:s30] =	ssyncadd.s32 $0xFFFFC000  }
0x45: {  	_ =	swait.ge [sflag:s31], $0x4000  }
0x46: {  	s9 =	simm.s32 $0x20;
	s10 =	simm.s32 $0x40;
	[sflag:s31] =	ssyncset.done $0x0  }
.LBB2_2:
0x47: {  	s12 =	sadd.s32 s9, s16  }
0x48: {  	[sflag:s31] =	ssyncadd.s32 $0xFFFFC000;
	s0 =	smov.u32 s10;
	s11 =	sadd.s32 $0x20, s10  }
0x49: {  	[tilespmem:s19], [sflag:$0x5] =	stream.linear.gather [hbm4b:s12+s4], $0x80, $0x38;
	[tilespmem:$0x1C380] =	vst v63  }
0x4a: {  	p1 =	sne.s32 s10, $0x4C0;
	_ =	swait.ge [sflag:s20], $0x80  }
0x4b: {  	[sflag:s20] =	ssyncset.done $0x0  }
0x4c: {  	s10 =	sadd.s32 s9, s15;
	[sflag:s20] =	ssyncadd.s32 $0xFFFFFF80  }
0x4d: {  	[tilespmem:s21], [sflag:$0x5] =	stream.linear.gather [hbm4b:s10+s4], $0x80, $0x38;
	[tilespmem:$0x1C380] =	vst v63  }
0x4e: {  	_ =	swait.ge [sflag:s20], $0x80  }
0x4f: {  	[sflag:s20] =	ssyncset.done $0x0  }
0x50: {  	[sflag:s20] =	ssyncadd.s32 $0xFFFFFF80  }
0x51: {  	[tilespmem:s23], [sflag:$0x1] =	stream.indirect.gather [hbm4b:s1+s22], $0x80, s19, s22, $0xb8;
	[tilespmem:$0x1C380] =	vst v63  }
0x52: {  	s10 =	sadd.s32 s9, s14  }
0x53: {  	[tilespmem:s24], [sflag:$0x5] =	stream.linear.gather [hbm4b:s10+s4], $0x80, $0x38;
	[tilespmem:$0x1C380] =	vst v63  }
0x54: {  	_ =	swait.ge [sflag:s20], $0x80  }
0x55: {  	[sflag:s20] =	ssyncset.done $0x0  }
0x56: {  	s10 =	sadd.s32 s9, s13;
	s9 =	smov.u32 s0;
	[sflag:s20] =	ssyncadd.s32 $0xFFFFFF80  }
0x57: {  	[tilespmem:s25], [sflag:$0x5] =	stream.linear.gather [hbm4b:s10+s4], $0x80, $0x38;
	[tilespmem:$0x1C380] =	vst v63  }
0x58: {  	_ =	swait.ge [sflag:s20], $0x80  }
0x59: {  	[sflag:s20] =	ssyncset.done $0x0  }
0x5a: {  	[sflag:s20] =	ssyncadd.s32 $0xFFFFFF80  }
0x5b: {  	[tilespmem:s26], [sflag:$0x2] =	stream.indirect.gather [hbm4b:s1+s22], $0x80, s24, s22, $0xb8;
	[tilespmem:$0x1C380] =	vst v63  }
0x5c: {  	_ =	swait.ge [sflag:s28], $0x4000  }
0x5d: {  	[sflag:s28] =	ssyncset.done $0x0  }
0x5e: {  	[sflag:s28] =	ssyncadd.s32 $0xFFFFC000  }
0x5f: {  	[spmem:s2] =	stream.indirect.scatter.add.f32 [tilespmem:s23], [sflag:$0x3], $0x80, s21, s22, $0xb8;
	[tilespmem:$0x1C380] =	vst v63  }
0x60: {  	_ =	swait.ge [sflag:s29], $0x4000  }
0x61: {  	[sflag:s29] =	ssyncset.done $0x0  }
0x62: {  	[sflag:s29] =	ssyncadd.s32 $0xFFFFC000  }
0x63: {  	[spmem:s2] =	stream.indirect.scatter.add.f32 [tilespmem:s26], [sflag:$0x4], $0x80, s25, s22, $0xb8;
	[tilespmem:$0x1C380] =	vst v63  }
.Ltmp0:
0x64: {  	_ =	swait.ge [sflag:s30], $0x4000;
	(pc) =	sbr.rel @p1 .LBB2_2-.Ltmp0, $4  }
0x65: {  	[sflag:s30] =	ssyncset.done $0x0  }
0x66: {  	[sflag:s30] =	ssyncadd.s32 $0xFFFFC000  }
0x67: {  	_ =	swait.ge [sflag:s31], $0x4000  }
0x68: {  	s10 =	smov.u32 s11;
	[sflag:s31] =	ssyncset.done $0x0  }
0x69: {  	s0 =	sadd.s32 s9, s16;
	[sflag:s31] =	ssyncadd.s32 $0xFFFFC000  }
0x6a: {  	[tilespmem:s19], [sflag:$0x5] =	stream.linear.gather [hbm4b:s0+s4], $0x80, $0x38;
	[tilespmem:$0x1C380] =	vst v63  }
0x6b: {  	_ =	swait.ge [sflag:s20], $0x80  }
0x6c: {  	[sflag:s20] =	ssyncset.done $0x0  }
0x6d: {  	s10 =	sadd.s32 s9, s15;
	[sflag:s20] =	ssyncadd.s32 $0xFFFFFF80  }
0x6e: {  	[tilespmem:s21], [sflag:$0x5] =	stream.linear.gather [hbm4b:s10+s4], $0x80, $0x38;
	[tilespmem:$0x1C380] =	vst v63  }
0x6f: {  	_ =	swait.ge [sflag:s20], $0x80  }
0x70: {  	[sflag:s20] =	ssyncset.done $0x0  }
0x71: {  	[sflag:s20] =	ssyncadd.s32 $0xFFFFFF80  }
0x72: {  	[tilespmem:s23], [sflag:$0x1] =	stream.indirect.gather [hbm4b:s1+s22], $0x80, s19, s22, $0xb8;
	[tilespmem:$0x1C380] =	vst v63  }
0x73: {  	s11 =	sadd.s32 s9, s14  }
0x74: {  	[tilespmem:s24], [sflag:$0x5] =	stream.linear.gather [hbm4b:s11+s4], $0x80, $0x38;
	[tilespmem:$0x1C380] =	vst v63  }
0x75: {  	_ =	swait.ge [sflag:s20], $0x80  }
0x76: {  	[sflag:s20] =	ssyncset.done $0x0  }
0x77: {  	s12 =	sadd.s32 s9, s13;
	[sflag:s20] =	ssyncadd.s32 $0xFFFFFF80  }
0x78: {  	[tilespmem:s25], [sflag:$0x5] =	stream.linear.gather [hbm4b:s12+s4], $0x80, $0x38;
	[tilespmem:$0x1C380] =	vst v63  }
0x79: {  	_ =	swait.ge [sflag:s20], $0x80  }
0x7a: {  	[sflag:s20] =	ssyncset.done $0x0  }
0x7b: {  	[sflag:s20] =	ssyncadd.s32 $0xFFFFFF80  }
0x7c: {  	[tilespmem:s26], [sflag:$0x2] =	stream.indirect.gather [hbm4b:s1+s22], $0x80, s24, s22, $0xb8;
	[tilespmem:$0x1C380] =	vst v63  }
0x7d: {  	_ =	swait.ge [sflag:s28], $0x4000  }
0x7e: {  	[sflag:s28] =	ssyncset.done $0x0  }
0x7f: {  	[sflag:s28] =	ssyncadd.s32 $0xFFFFC000  }
0x80: {  	[spmem:s2] =	stream.indirect.scatter.add.f32 [tilespmem:s23], [sflag:$0x3], $0x80, s21, s22, $0xb8;
	[tilespmem:$0x1C380] =	vst v63  }
0x81: {  	_ =	swait.ge [sflag:s29], $0x4000  }
0x82: {  	[sflag:s29] =	ssyncset.done $0x0  }
0x83: {  	[sflag:s29] =	ssyncadd.s32 $0xFFFFC000  }
0x84: {  	[spmem:s2] =	stream.indirect.scatter.add.f32 [tilespmem:s26], [sflag:$0x4], $0x80, s25, s22, $0xb8;
	[tilespmem:$0x1C380] =	vst v63  }
0x85: {  	_ =	swait.ge [sflag:s30], $0x4000  }
0x86: {  	[sflag:s30] =	ssyncset.done $0x0  }
0x87: {  	[sflag:s30] =	ssyncadd.s32 $0xFFFFC000  }
0x88: {  	_ =	swait.ge [sflag:s31], $0x4000  }
0x89: {  	[sflag:s31] =	ssyncset.done $0x0  }
0x8a: {  	s10 =	simm.s32 $0x1BA80;
	s9 =	rddreg [dreg:$0x7];
	[sflag:s31] =	ssyncadd.s32 $0xFFFFC000  }
0x8b: {  	[tilespmem:s10], [sflag:$0x5] =	stream.linear.gather [hbm4b:s9+s4], $0x10, $0x38;
	[tilespmem:$0x1C380] =	vst v63  }
0x8c: {  	_ =	swait.ge [sflag:s20], $0x10  }
0x8d: {  	[sflag:s20] =	ssyncset.done $0x0  }
0x8e: {  	s11 =	rddreg [dreg:$0x8];
	[sflag:s20] =	ssyncadd.s32 $0xFFFFFFF0  }
0x8f: {  	[tilespmem:s3], [sflag:$0x5] =	stream.linear.gather [hbm4b:s11+s4], $0x10, $0x38;
	[tilespmem:$0x1C380] =	vst v63  }
0x90: {  	_ =	swait.ge [sflag:s20], $0x10  }
0x91: {  	[sflag:s20] =	ssyncset.done $0x0  }
0x92: {  	[sflag:s20] =	ssyncadd.s32 $0xFFFFFFF0  }
0x93: {  	[tilespmem:s6], [sflag:$0x1] =	stream.indirect.gather [hbm4b:s1+s5], $0x80, s10, s5, $0xb8;
	[tilespmem:$0x1C380] =	vst v63  }
0x94: {  	_ =	swait.ge [sflag:s28], $0x800  }
0x95: {  	[sflag:s28] =	ssyncset.done $0x0  }
0x96: {  	[sflag:s28] =	ssyncadd.s32 $0xFFFFF800  }
0x97: {  	[spmem:s2] =	stream.indirect.scatter.add.f32 [tilespmem:s6], [sflag:$0x5], $0x80, s3, s5, $0xb8;
	[tilespmem:$0x1C380] =	vst v63  }
0x98: {  	_ =	swait.ge [sflag:s20], $0x800  }
0x99: {  	[sflag:s20] =	ssyncset.done $0x0  }
0x9a: {  	[sflag:s20] =	ssyncadd.s32 $0xFFFFF800  }
0x9b: {  	[bflag:$0x0] =	sbarrier.arrive $0xFFFF  }
0x9c: {  	s0 =	simm.s32 @p0 $0x1FC5;
	s9 =	rddreg [dreg:$0xa]  }
0x9d: {  	[hbm:s9], [sflag:s0] =	dma.local @p0 [spmem:s17], $0x2080  }
0x9e: {  	s0 =	simm.s32 @p0 $0x5  }
0x9f: {  	_ =	swait.ge @p0 [sflag:s0], $0x2080  }
0xa0: {  	[sflag:s0] =	ssyncset.done @p0 $0x0  }
0xa1: {  	[sflag:s0] =	ssyncadd.s32 @p0 $0xFFFFDF80;
	s0 =	rddreg [dreg:$0x9]  }
0xa2: {  	[hbm:s0], [sflag:s18] =	dma.local @!p0 [spmem:s8], $0x2780  }
0xa3: {  	s0 =	simm.s32 @!p0 $0x5  }
0xa4: {  	_ =	swait.ge @!p0 [sflag:s0], $0x2780  }
0xa5: {  	s7 =	sadd.s32 $0x1, s7;
	s12 =	rddreg [dreg:$0xb]  }
0xa6: {  	p1 =	sne.s32 s7, s12  }
.Ltmp1:
0xa7: {  	_ = 	snop;
	(pc) =	sbr.rel @p1 .LBB2_1-.Ltmp1, $3  }
0xa8: {  	_ =	sdelay $0x1  }
0xa9: {  	[sflag:s0] =	ssyncset.done @!p0 $0x0  }
0xaa: {  	[sflag:s0] =	ssyncadd.s32 @!p0 $0xFFFFD880  }
0xab: {  	_ =	sfence.sel $0x180000  }
0xac: {  	[bflag:$0x0] =	sbarrier.arrive $0xFFFF  }
0xad: {  	_ =	strace $0x90000047  }
0xae: {  	s0 =	stileid.u32;
	[bflag:$0x2] =	sbarrier.arrive $0xFFFF  }
0xaf: {  	p0 =	sne.s32 s0, $0x0;
	s0 =	rddreg [dreg:$0x3]  }
0xb0: {  	s0 =	sadd.s32 @!p0 $0x100000, s0  }
0xb1: {  	[sflag:s0] =	ssyncadd.tile.s32 @!p0 $0x1;
	_ =	shalt  }
.Lfunc_end2:
_tile_overlayer_lowered:
.L_overlay_start_2:
0xb2: {  	(tag) =	ssettag $0x2  }
0xb3: {  	s0 =	rddreg [dreg:$0x0];
	s2 =	stileid.u32  }
0xb4: {  	s1 =	rddreg [dreg:$0x1];
	p0 =	sne.s32 s2, $0x0  }
0xb5: {  	s3 =	rddreg [dreg:$0x2];
	[bflag:$0x3] =	sbarrier.arrive $0xFFFF;
	s2 =	simm.s32 @!p0 $0x1C05  }
0xb6: {  	[timem:s3], [sflag:s2] =	dma.local @!p0 [hbm:s0], s1  }
0xb7: {  	s0 =	simm.s32 @!p0 $0x5  }
0xb8: {  	_ =	swait.ge @!p0 [sflag:s0], s1  }
0xb9: {  	s1 =	ssub.s32 @!p0 $0x0, s1;
	[sflag:s0] =	ssyncset.done @!p0 $0x0  }
0xba: {  	[sflag:s0] =	ssyncadd.s32 @!p0 s1  }
0xbb: {  	[bflag:$0x3] =	sbarrier.arrive $0xFFFF  }
0xbc: {  	_ =	shalt  }

</sc_bundles>
